<compile_context>
chip_gen: v7x
topology: tpu7x:2x2x1
jax: 0.10.2.dev20260603
libtpu: 0.0.44.dev20260713+nightly
codegen_flags: <defaults>
</compile_context>

<pallas_src>
import functools

import jax
import jax.numpy as jnp
from jax import lax
from jax.experimental import pallas as pl
from jax.experimental.pallas import tpu as pltpu
from jax.experimental.pallas import tpu_sc as plsc

_B = 4096
_S = 200
_E = 64
_V = 1000000
_N = _B * _S
_NW = 32
_PER_W = _N // _NW
_C = _S
_NCHUNK = _PER_W // _C

def _emb_body(x_hbm, tpad_hbm, posT_hbm, out_hbm,
              posT_v, pos_v, idx0, idx1, rows0, rows1, outb,
              gsem0, gsem1, osem, isem0, isem1):
    idx = (idx0, idx1)
    rows = (rows0, rows1)
    gsem = (gsem0, gsem1)
    isem = (isem0, isem1)

    wid = lax.axis_index("s") * 2 + lax.axis_index("c")
    base = wid * _PER_W

    iot = lax.iota(jnp.int32, 16)
    pltpu.sync_copy(posT_hbm.at[:, pl.ds(0, 128)], posT_v)

    def prow_a(e, c2):
        col = jnp.full((16,), e, jnp.int32)
        for lg in range(8):
            plsc.store_scatter(pos_v, [iot + lg * 16, col],
                               posT_v[e, pl.ds(lg * 16, 16)])
        return c2

    lax.fori_loop(0, _E, prow_a, 0)
    pltpu.sync_copy(posT_hbm.at[:, pl.ds(128, 128)], posT_v)

    def prow_b(e, c2):
        col = jnp.full((16,), e, jnp.int32)
        for lg in range(5):
            s_idx = iot + (128 + lg * 16)
            v = posT_v[e, pl.ds(lg * 16, 16)]
            if lg < 4:
                plsc.store_scatter(pos_v, [s_idx, col], v)
            else:
                plsc.store_scatter(pos_v, [s_idx, col], v, mask=iot < 8)
        return c2

    lax.fori_loop(0, _E, prow_b, 0)

    pltpu.sync_copy(x_hbm.at[pl.ds(base, _C)], idx0)
    pltpu.async_copy(tpad_hbm.at[idx0], rows0, gsem0)
    pltpu.async_copy(x_hbm.at[pl.ds(base + _C, _C)], idx1, isem1)

    def pair(g2, carry):
        for b in range(2):
            g = g2 * 2 + b
            nb = 1 - b

            pltpu.make_async_copy(tpad_hbm.at[idx[b]], rows[b],
                                  gsem[b]).wait()

            @pl.when(g + 2 < _NCHUNK)
            def _nextidx():
                pltpu.async_copy(x_hbm.at[pl.ds(base + (g + 2) * _C, _C)],
                                 idx[b], isem[b])

            @pl.when(g + 1 < _NCHUNK)
            def _nextgather():
                pltpu.make_async_copy(x_hbm.at[pl.ds(base, _C)], idx[nb],
                                      isem[nb]).wait()
                pltpu.async_copy(tpad_hbm.at[idx[nb]], rows[nb], gsem[nb])

            @pl.when(g >= 1)
            def _drain():
                pltpu.make_async_copy(outb, out_hbm.at[pl.ds(base, _C)],
                                      osem).wait()

            def compact(r4, c2):
                for u in range(4):
                    r = r4 * 4 + u
                    for c in range(_E // 16):
                        sl = pl.ds(c * 16, 16)
                        outb[r, sl] = rows[b][r, sl] + pos_v[r, sl]
                return c2

            lax.fori_loop(0, _C // 4, compact, 0)
            pltpu.async_copy(outb, out_hbm.at[pl.ds(base + g * _C, _C)],
                             osem)
        return carry

    lax.fori_loop(0, _NCHUNK // 2, pair, 0)
    pltpu.make_async_copy(outb, out_hbm.at[pl.ds(base, _C)], osem).wait()


@jax.jit
def _run(x, token_emb, pos_emb):
    mesh = plsc.VectorSubcoreMesh(core_axis_name="c", subcore_axis_name="s")
    tpad = jnp.pad(token_emb, ((0, 0), (0, _E)))

    emb = functools.partial(
        pl.kernel,
        mesh=mesh,
        compiler_params=pltpu.CompilerParams(needs_layout_passes=False),
        out_type=jax.ShapeDtypeStruct((_N, _E), jnp.float32),
        scratch_types=[
            pltpu.VMEM((_E, 128), jnp.float32),
            pltpu.VMEM((_S, _E), jnp.float32),
            pltpu.VMEM((_C,), jnp.int32),
            pltpu.VMEM((_C,), jnp.int32),
            pltpu.VMEM((_C, 2 * _E), jnp.float32),
            pltpu.VMEM((_C, 2 * _E), jnp.float32),
            pltpu.VMEM((_C, _E), jnp.float32),
            pltpu.SemaphoreType.DMA,
            pltpu.SemaphoreType.DMA,
            pltpu.SemaphoreType.DMA,
            pltpu.SemaphoreType.DMA,
            pltpu.SemaphoreType.DMA,
        ],
    )(_emb_body)
    posTp = jnp.pad(pos_emb.T, ((0, 0), (0, 256 - _S)))
    out = emb(x.reshape(-1), tpad, posTp)
    return out.reshape(x.shape[0], x.shape[1], _E)


def kernel(x, token_emb, pos_emb):
    return _run(x, token_emb, pos_emb)

# --- scband reference (transcript-rebuilt; emitter-appended) ---
"""Pipeline reference for scband-token-and-position-embedding-36369783062931 (READ-ONLY COPY).

The authoritative reference and input builder live on the scoring server;
editing this copy changes nothing except your own understanding.
"""

import jax, jax.numpy as jnp
import numpy as np

VOCAB = 1000000
MAX_SEQ = 200
EMBED = 64
BATCH = 4096
SEQ = 200

def setup_inputs(seed: int = 0) -> dict:
    key = jax.random.key(seed)
    k1, k2, k3 = jax.random.split(key, 3)
    x = jax.random.randint(k1, (BATCH, SEQ), 0, VOCAB, dtype=jnp.int64 if jax.config.jax_enable_x64 else jnp.int32)
    token_emb = jax.random.normal(k2, (VOCAB, EMBED), dtype=jnp.float32) * 0.02
    pos_emb = jax.random.normal(k3, (MAX_SEQ, EMBED), dtype=jnp.float32) * 0.02
    return {"x": x, "token_emb": token_emb, "pos_emb": pos_emb}

def reference(x, token_emb, pos_emb):
    seq_len = x.shape[1]
    positions = jnp.arange(0, seq_len)[None, :]  # [1, seq_len]
    tok = jnp.take(token_emb, x, axis=0)          # [B, S, E]
    pos = jnp.take(pos_emb, positions, axis=0)    # [1, S, E]
    return tok + pos

if __name__ == "__main__":
    import jax
    _d = setup_inputs()
    print(jax.jit(kernel)(*tuple(_d.values())))

</pallas_src>

<mosaic_0001>
#map = affine_map<(d0, d1) -> (0)>
#map1 = affine_map<(d0, d1) -> (0, 0)>
module attributes {stable_mosaic.version = 14 : i64} {
  func.func @_emb_body(%arg0: i32, %arg1: i32, %arg2: memref<819200xi32, #tpu.memory_space<hbm>>, %arg3: memref<1000000x128xf32, #tpu.memory_space<hbm>>, %arg4: memref<64x256xf32, #tpu.memory_space<hbm>>, %arg5: memref<819200x64xf32, #tpu.memory_space<hbm>>, %arg6: memref<64x128xf32, #tpu.memory_space<vmem>>, %arg7: memref<200x64xf32, #tpu.memory_space<vmem>>, %arg8: memref<200xi32, #tpu.memory_space<vmem>>, %arg9: memref<200xi32, #tpu.memory_space<vmem>>, %arg10: memref<200x128xf32, #tpu.memory_space<vmem>>, %arg11: memref<200x128xf32, #tpu.memory_space<vmem>>, %arg12: memref<200x64xf32, #tpu.memory_space<vmem>>, %arg13: memref<!tpu.dma_semaphore, #tpu.memory_space<semaphore_mem>>, %arg14: memref<!tpu.dma_semaphore, #tpu.memory_space<semaphore_mem>>, %arg15: memref<!tpu.dma_semaphore, #tpu.memory_space<semaphore_mem>>, %arg16: memref<!tpu.dma_semaphore, #tpu.memory_space<semaphore_mem>>, %arg17: memref<!tpu.dma_semaphore, #tpu.memory_space<semaphore_mem>>) attributes {dimension_semantics = [#tpu.dimension_semantics<core_parallel>, #tpu.dimension_semantics<subcore_parallel>], iteration_bounds = array<i64: 2, 16>, scalar_prefetch = 0 : i64, scratch_operands = 12 : i64, tpu.core_type = #tpu.core_type<sc_vector_subcore>, window_params = [{transform_indices = #map}, {transform_indices = #map1}, {transform_indices = #map1}, {transform_indices = #map1}]} {
    %mul3A = arith.constant 2 : i32
    %mul3A_0 = arith.muli %arg1, %mul3A : i32
    %add3A = arith.addi %mul3A_0, %arg0 : i32
    %mul3A_1 = arith.constant 25600 : i32
    %mul3A_2 = arith.muli %add3A, %mul3A_1 : i32
    %iota3A = tpu.iota {dimensions = array<i32: 0>} : vector<16xi32>
    "tpu.region"() ({
      %run_scoped3A = tpu.sem_alloc : memref<!tpu.dma_semaphore, #tpu.memory_space<semaphore_mem>>
      %dma_start3A_29 = arith.constant 0 : i32
      %dma_start3A_30 = arith.constant 0 : i32
      %dma_start3A_31 = tpu.memref_slice %arg4[%dma_start3A_29, %dma_start3A_30] : memref<64x256xf32, #tpu.memory_space<hbm>> -> memref<64x128xf32, #tpu.memory_space<hbm>>
      %dma_start3A_32 = arith.constant 0 : i32
      %dma_start3A_33 = arith.constant 0 : i32
      %dma_start3A_34 = tpu.memref_slice %arg4[%dma_start3A_32, %dma_start3A_33] : memref<64x256xf32, #tpu.memory_space<hbm>> -> memref<64x128xf32, #tpu.memory_space<hbm>>
      tpu.enqueue_dma source(%dma_start3A_34 : memref<64x128xf32, #tpu.memory_space<hbm>>) target(%arg6 : memref<64x128xf32, #tpu.memory_space<vmem>>) target_semaphore(%run_scoped3A : memref<!tpu.dma_semaphore, #tpu.memory_space<semaphore_mem>>)
      %dma_wait3A_35 = arith.constant 0 : i32
      %dma_wait3A_36 = arith.constant 0 : i32
      %dma_wait3A_37 = tpu.memref_slice %arg4[%dma_wait3A_35, %dma_wait3A_36] : memref<64x256xf32, #tpu.memory_space<hbm>> -> memref<64x128xf32, #tpu.memory_space<hbm>>
      %dma_wait3A_38 = arith.constant 0 : i32
      %dma_wait3A_39 = arith.constant 0 : i32
      %dma_wait3A_40 = tpu.memref_slice %arg4[%dma_wait3A_38, %dma_wait3A_39] : memref<64x256xf32, #tpu.memory_space<hbm>> -> memref<64x128xf32, #tpu.memory_space<hbm>>
      tpu.wait_dma2 semaphore(%run_scoped3A : memref<!tpu.dma_semaphore, #tpu.memory_space<semaphore_mem>>) src(%dma_wait3A_40 : memref<64x128xf32, #tpu.memory_space<hbm>>) dst(%arg6 : memref<64x128xf32, #tpu.memory_space<vmem>>)
      tpu.yield
    }) : () -> ()
    %scan3A = arith.constant 0 : i32
    %scan3A_3 = arith.constant 0 : i32
    %scan3A_4 = arith.constant 64 : i32
    %scan3A_5 = arith.addi %scan3A_3, %scan3A_4 : i32
    %scan3A_6 = arith.constant 1 : i32
    scf.for %scan3A_29 = %scan3A_3 to %scan3A_5 step %scan3A_6  : i32 {
      %broadcast_in_dim3A = vector.broadcast %scan3A_29 : i32 to vector<16xi32>
      %add3A_30 = arith.constant 0 : i32
      %add3A_31 = vector.broadcast %add3A_30 : i32 to vector<16xi32>
      %add3A_32 = arith.addi %iota3A, %add3A_31 : vector<16xi32>
      %get3A = arith.index_cast %scan3A_29 : i32 to index
      %get3A_33 = arith.constant 0 : index
      %get3A_34 = tpu.vector_load %arg6[%get3A, %get3A_33] {strides = array<i32>} : memref<64x128xf32, #tpu.memory_space<vmem>>, vector<16xf32>,
      tpu.vector_store_idx %arg7[%add3A_32, %broadcast_in_dim3A], %get3A_34 : memref<200x64xf32, #tpu.memory_space<vmem>>[vector<16xi32>, vector<16xi32>], vector<16xf32>,
      %add3A_35 = arith.constant 16 : i32
      %add3A_36 = vector.broadcast %add3A_35 : i32 to vector<16xi32>
      %add3A_37 = arith.addi %iota3A, %add3A_36 : vector<16xi32>
      %get3A_38 = arith.index_cast %scan3A_29 : i32 to index
      %get3A_39 = arith.constant 16 : index
      %get3A_40 = tpu.vector_load %arg6[%get3A_38, %get3A_39] {strides = array<i32>} : memref<64x128xf32, #tpu.memory_space<vmem>>, vector<16xf32>,
      tpu.vector_store_idx %arg7[%add3A_37, %broadcast_in_dim3A], %get3A_40 : memref<200x64xf32, #tpu.memory_space<vmem>>[vector<16xi32>, vector<16xi32>], vector<16xf32>,
      %add3A_41 = arith.constant 32 : i32
      %add3A_42 = vector.broadcast %add3A_41 : i32 to vector<16xi32>
      %add3A_43 = arith.addi %iota3A, %add3A_42 : vector<16xi32>
      %get3A_44 = arith.index_cast %scan3A_29 : i32 to index
      %get3A_45 = arith.constant 32 : index
      %get3A_46 = tpu.vector_load %arg6[%get3A_44, %get3A_45] {strides = array<i32>} : memref<64x128xf32, #tpu.memory_space<vmem>>, vector<16xf32>,
      tpu.vector_store_idx %arg7[%add3A_43, %broadcast_in_dim3A], %get3A_46 : memref<200x64xf32, #tpu.memory_space<vmem>>[vector<16xi32>, vector<16xi32>], vector<16xf32>,
      %add3A_47 = arith.constant 48 : i32
      %add3A_48 = vector.broadcast %add3A_47 : i32 to vector<16xi32>
      %add3A_49 = arith.addi %iota3A, %add3A_48 : vector<16xi32>
      %get3A_50 = arith.index_cast %scan3A_29 : i32 to index
      %get3A_51 = arith.constant 48 : index
      %get3A_52 = tpu.vector_load %arg6[%get3A_50, %get3A_51] {strides = array<i32>} : memref<64x128xf32, #tpu.memory_space<vmem>>, vector<16xf32>,
      tpu.vector_store_idx %arg7[%add3A_49, %broadcast_in_dim3A], %get3A_52 : memref<200x64xf32, #tpu.memory_space<vmem>>[vector<16xi32>, vector<16xi32>], vector<16xf32>,
      %add3A_53 = arith.constant 64 : i32
      %add3A_54 = vector.broadcast %add3A_53 : i32 to vector<16xi32>
      %add3A_55 = arith.addi %iota3A, %add3A_54 : vector<16xi32>
      %get3A_56 = arith.index_cast %scan3A_29 : i32 to index
      %get3A_57 = arith.constant 64 : index
      %get3A_58 = tpu.vector_load %arg6[%get3A_56, %get3A_57] {strides = array<i32>} : memref<64x128xf32, #tpu.memory_space<vmem>>, vector<16xf32>,
      tpu.vector_store_idx %arg7[%add3A_55, %broadcast_in_dim3A], %get3A_58 : memref<200x64xf32, #tpu.memory_space<vmem>>[vector<16xi32>, vector<16xi32>], vector<16xf32>,
      %add3A_59 = arith.constant 80 : i32
      %add3A_60 = vector.broadcast %add3A_59 : i32 to vector<16xi32>
      %add3A_61 = arith.addi %iota3A, %add3A_60 : vector<16xi32>
      %get3A_62 = arith.index_cast %scan3A_29 : i32 to index
      %get3A_63 = arith.constant 80 : index
      %get3A_64 = tpu.vector_load %arg6[%get3A_62, %get3A_63] {strides = array<i32>} : memref<64x128xf32, #tpu.memory_space<vmem>>, vector<16xf32>,
      tpu.vector_store_idx %arg7[%add3A_61, %broadcast_in_dim3A], %get3A_64 : memref<200x64xf32, #tpu.memory_space<vmem>>[vector<16xi32>, vector<16xi32>], vector<16xf32>,
      %add3A_65 = arith.constant 96 : i32
      %add3A_66 = vector.broadcast %add3A_65 : i32 to vector<16xi32>
      %add3A_67 = arith.addi %iota3A, %add3A_66 : vector<16xi32>
      %get3A_68 = arith.index_cast %scan3A_29 : i32 to index
      %get3A_69 = arith.constant 96 : index
      %get3A_70 = tpu.vector_load %arg6[%get3A_68, %get3A_69] {strides = array<i32>} : memref<64x128xf32, #tpu.memory_space<vmem>>, vector<16xf32>,
      tpu.vector_store_idx %arg7[%add3A_67, %broadcast_in_dim3A], %get3A_70 : memref<200x64xf32, #tpu.memory_space<vmem>>[vector<16xi32>, vector<16xi32>], vector<16xf32>,
      %add3A_71 = arith.constant 112 : i32
      %add3A_72 = vector.broadcast %add3A_71 : i32 to vector<16xi32>
      %add3A_73 = arith.addi %iota3A, %add3A_72 : vector<16xi32>
      %get3A_74 = arith.index_cast %scan3A_29 : i32 to index
      %get3A_75 = arith.constant 112 : index
      %get3A_76 = tpu.vector_load %arg6[%get3A_74, %get3A_75] {strides = array<i32>} : memref<64x128xf32, #tpu.memory_space<vmem>>, vector<16xf32>,
      tpu.vector_store_idx %arg7[%add3A_73, %broadcast_in_dim3A], %get3A_76 : memref<200x64xf32, #tpu.memory_space<vmem>>[vector<16xi32>, vector<16xi32>], vector<16xf32>,
    }
    %scan3A_7 = arith.constant 64 : i32
    "tpu.region"() ({
      %run_scoped3A = tpu.sem_alloc : memref<!tpu.dma_semaphore, #tpu.memory_space<semaphore_mem>>
      %dma_start3A_29 = arith.constant 0 : i32
      %dma_start3A_30 = arith.constant 128 : i32
      %dma_start3A_31 = tpu.memref_slice %arg4[%dma_start3A_29, %dma_start3A_30] : memref<64x256xf32, #tpu.memory_space<hbm>> -> memref<64x128xf32, #tpu.memory_space<hbm>>
      %dma_start3A_32 = arith.constant 0 : i32
      %dma_start3A_33 = arith.constant 128 : i32
      %dma_start3A_34 = tpu.memref_slice %arg4[%dma_start3A_32, %dma_start3A_33] : memref<64x256xf32, #tpu.memory_space<hbm>> -> memref<64x128xf32, #tpu.memory_space<hbm>>
      tpu.enqueue_dma source(%dma_start3A_34 : memref<64x128xf32, #tpu.memory_space<hbm>>) target(%arg6 : memref<64x128xf32, #tpu.memory_space<vmem>>) target_semaphore(%run_scoped3A : memref<!tpu.dma_semaphore, #tpu.memory_space<semaphore_mem>>)
      %dma_wait3A_35 = arith.constant 0 : i32
      %dma_wait3A_36 = arith.constant 128 : i32
      %dma_wait3A_37 = tpu.memref_slice %arg4[%dma_wait3A_35, %dma_wait3A_36] : memref<64x256xf32, #tpu.memory_space<hbm>> -> memref<64x128xf32, #tpu.memory_space<hbm>>
      %dma_wait3A_38 = arith.constant 0 : i32
      %dma_wait3A_39 = arith.constant 128 : i32
      %dma_wait3A_40 = tpu.memref_slice %arg4[%dma_wait3A_38, %dma_wait3A_39] : memref<64x256xf32, #tpu.memory_space<hbm>> -> memref<64x128xf32, #tpu.memory_space<hbm>>
      tpu.wait_dma2 semaphore(%run_scoped3A : memref<!tpu.dma_semaphore, #tpu.memory_space<semaphore_mem>>) src(%dma_wait3A_40 : memref<64x128xf32, #tpu.memory_space<hbm>>) dst(%arg6 : memref<64x128xf32, #tpu.memory_space<vmem>>)
      tpu.yield
    }) : () -> ()
    %scan3A_8 = arith.constant 0 : i32
    %scan3A_9 = arith.constant 0 : i32
    %scan3A_10 = arith.constant 64 : i32
    %scan3A_11 = arith.addi %scan3A_9, %scan3A_10 : i32
    %scan3A_12 = arith.constant 1 : i32
    scf.for %scan3A_29 = %scan3A_9 to %scan3A_11 step %scan3A_12  : i32 {
      %broadcast_in_dim3A = vector.broadcast %scan3A_29 : i32 to vector<16xi32>
      %add3A_30 = arith.constant 128 : i32
      %add3A_31 = vector.broadcast %add3A_30 : i32 to vector<16xi32>
      %add3A_32 = arith.addi %iota3A, %add3A_31 : vector<16xi32>
      %get3A = arith.index_cast %scan3A_29 : i32 to index
      %get3A_33 = arith.constant 0 : index
      %get3A_34 = tpu.vector_load %arg6[%get3A, %get3A_33] {strides = array<i32>} : memref<64x128xf32, #tpu.memory_space<vmem>>, vector<16xf32>,
      tpu.vector_store_idx %arg7[%add3A_32, %broadcast_in_dim3A], %get3A_34 : memref<200x64xf32, #tpu.memory_space<vmem>>[vector<16xi32>, vector<16xi32>], vector<16xf32>,
      %add3A_35 = arith.constant 144 : i32
      %add3A_36 = vector.broadcast %add3A_35 : i32 to vector<16xi32>
      %add3A_37 = arith.addi %iota3A, %add3A_36 : vector<16xi32>
      %get3A_38 = arith.index_cast %scan3A_29 : i32 to index
      %get3A_39 = arith.constant 16 : index
      %get3A_40 = tpu.vector_load %arg6[%get3A_38, %get3A_39] {strides = array<i32>} : memref<64x128xf32, #tpu.memory_space<vmem>>, vector<16xf32>,
      tpu.vector_store_idx %arg7[%add3A_37, %broadcast_in_dim3A], %get3A_40 : memref<200x64xf32, #tpu.memory_space<vmem>>[vector<16xi32>, vector<16xi32>], vector<16xf32>,
      %add3A_41 = arith.constant 160 : i32
      %add3A_42 = vector.broadcast %add3A_41 : i32 to vector<16xi32>
      %add3A_43 = arith.addi %iota3A, %add3A_42 : vector<16xi32>
      %get3A_44 = arith.index_cast %scan3A_29 : i32 to index
      %get3A_45 = arith.constant 32 : index
      %get3A_46 = tpu.vector_load %arg6[%get3A_44, %get3A_45] {strides = array<i32>} : memref<64x128xf32, #tpu.memory_space<vmem>>, vector<16xf32>,
      tpu.vector_store_idx %arg7[%add3A_43, %broadcast_in_dim3A], %get3A_46 : memref<200x64xf32, #tpu.memory_space<vmem>>[vector<16xi32>, vector<16xi32>], vector<16xf32>,
      %add3A_47 = arith.constant 176 : i32
      %add3A_48 = vector.broadcast %add3A_47 : i32 to vector<16xi32>
      %add3A_49 = arith.addi %iota3A, %add3A_48 : vector<16xi32>
      %get3A_50 = arith.index_cast %scan3A_29 : i32 to index
      %get3A_51 = arith.constant 48 : index
      %get3A_52 = tpu.vector_load %arg6[%get3A_50, %get3A_51] {strides = array<i32>} : memref<64x128xf32, #tpu.memory_space<vmem>>, vector<16xf32>,
      tpu.vector_store_idx %arg7[%add3A_49, %broadcast_in_dim3A], %get3A_52 : memref<200x64xf32, #tpu.memory_space<vmem>>[vector<16xi32>, vector<16xi32>], vector<16xf32>,
      %add3A_53 = arith.constant 192 : i32
      %add3A_54 = vector.broadcast %add3A_53 : i32 to vector<16xi32>
      %add3A_55 = arith.addi %iota3A, %add3A_54 : vector<16xi32>
      %get3A_56 = arith.index_cast %scan3A_29 : i32 to index
      %get3A_57 = arith.constant 64 : index
      %get3A_58 = tpu.vector_load %arg6[%get3A_56, %get3A_57] {strides = array<i32>} : memref<64x128xf32, #tpu.memory_space<vmem>>, vector<16xf32>,
      %lt3A = arith.constant 8 : i32
      %lt3A_59 = vector.broadcast %lt3A : i32 to vector<16xi32>
      %lt3A_60 = arith.cmpi slt, %iota3A, %lt3A_59 : vector<16xi32>
      tpu.vector_store_idx %arg7[%add3A_55, %broadcast_in_dim3A], %get3A_58 masked %lt3A_60 : memref<200x64xf32, #tpu.memory_space<vmem>>[vector<16xi32>, vector<16xi32>], vector<16xf32>, vector<16xi1>
    }
    %scan3A_13 = arith.constant 64 : i32
    "tpu.region"() ({
      %run_scoped3A = tpu.sem_alloc : memref<!tpu.dma_semaphore, #tpu.memory_space<semaphore_mem>>
      %dma_start3A_29 = tpu.memref_slice %arg2[%mul3A_2] : memref<819200xi32, #tpu.memory_space<hbm>> -> memref<200xi32, #tpu.memory_space<hbm>>
      %dma_start3A_30 = tpu.memref_slice %arg2[%mul3A_2] : memref<819200xi32, #tpu.memory_space<hbm>> -> memref<200xi32, #tpu.memory_space<hbm>>
      tpu.enqueue_dma source(%dma_start3A_30 : memref<200xi32, #tpu.memory_space<hbm>>) target(%arg8 : memref<200xi32, #tpu.memory_space<vmem>>) target_semaphore(%run_scoped3A : memref<!tpu.dma_semaphore, #tpu.memory_space<semaphore_mem>>)
      %dma_wait3A_31 = tpu.memref_slice %arg2[%mul3A_2] : memref<819200xi32, #tpu.memory_space<hbm>> -> memref<200xi32, #tpu.memory_space<hbm>>
      %dma_wait3A_32 = tpu.memref_slice %arg2[%mul3A_2] : memref<819200xi32, #tpu.memory_space<hbm>> -> memref<200xi32, #tpu.memory_space<hbm>>
      tpu.wait_dma2 semaphore(%run_scoped3A : memref<!tpu.dma_semaphore, #tpu.memory_space<semaphore_mem>>) src(%dma_wait3A_32 : memref<200xi32, #tpu.memory_space<hbm>>) dst(%arg8 : memref<200xi32, #tpu.memory_space<vmem>>)
      tpu.yield
    }) : () -> ()
    %dma_start3A = arith.constant 0 : i32
    %dma_start3A_14 = arith.constant 0 : i32
    %dma_start3A_15 = tpu.memref_slice %arg3[%dma_start3A, %dma_start3A_14] : memref<1000000x128xf32, #tpu.memory_space<hbm>> -> memref<1000000x128xf32, #tpu.memory_space<hbm>>
    tpu.enqueue_indirect_dma source(%dma_start3A_15 : memref<1000000x128xf32, #tpu.memory_space<hbm>>) target(%arg10 : memref<200x128xf32, #tpu.memory_space<vmem>>) offsets(%arg8 : memref<200xi32, #tpu.memory_space<vmem>>) semaphore(%arg13 : memref<!tpu.dma_semaphore, #tpu.memory_space<semaphore_mem>>)
    %add3A_16 = arith.constant 200 : i32
    %add3A_17 = arith.addi %mul3A_2, %add3A_16 : i32
    %dma_start3A_18 = tpu.memref_slice %arg2[%add3A_17] : memref<819200xi32, #tpu.memory_space<hbm>> -> memref<200xi32, #tpu.memory_space<hbm>>
    %dma_start3A_19 = tpu.memref_slice %arg2[%add3A_17] : memref<819200xi32, #tpu.memory_space<hbm>> -> memref<200xi32, #tpu.memory_space<hbm>>
    tpu.enqueue_dma source(%dma_start3A_19 : memref<200xi32, #tpu.memory_space<hbm>>) target(%arg9 : memref<200xi32, #tpu.memory_space<vmem>>) target_semaphore(%arg17 : memref<!tpu.dma_semaphore, #tpu.memory_space<semaphore_mem>>)
    %scan3A_20 = arith.constant 0 : i32
    %scan3A_21 = arith.constant 0 : i32
    %scan3A_22 = arith.constant 64 : i32
    %scan3A_23 = arith.addi %scan3A_21, %scan3A_22 : i32
    %scan3A_24 = arith.constant 1 : i32
    scf.for %scan3A_29 = %scan3A_21 to %scan3A_23 step %scan3A_24  : i32 {
      %mul3A_30 = arith.constant 2 : i32
      %mul3A_31 = arith.muli %scan3A_29, %mul3A_30 : i32
      %add3A_32 = arith.constant 0 : i32
      %add3A_33 = arith.addi %mul3A_31, %add3A_32 : i32
      %dma_wait3A_34 = arith.constant 0 : i32
      %dma_wait3A_35 = arith.constant 0 : i32
      %dma_wait3A_36 = tpu.memref_slice %arg3[%dma_wait3A_34, %dma_wait3A_35] : memref<1000000x128xf32, #tpu.memory_space<hbm>> -> memref<1000000x128xf32, #tpu.memory_space<hbm>>
      tpu.wait_indirect_dma semaphore(%arg13 : memref<!tpu.dma_semaphore, #tpu.memory_space<semaphore_mem>>) src(%dma_wait3A_36 : memref<1000000x128xf32, #tpu.memory_space<hbm>>) dst(%arg10 : memref<200x128xf32, #tpu.memory_space<vmem>>)
      %add3A_37 = arith.constant 2 : i32
      %add3A_38 = arith.addi %add3A_33, %add3A_37 : i32
      %lt3A = arith.constant 128 : i32
      %lt3A_39 = arith.cmpi slt, %add3A_38, %lt3A : i32
      %convert_element_type3A = arith.extui %lt3A_39 : i1 to i32
      %cond3A = arith.constant 0 : i32
      %cond3A_40 = arith.cmpi ne, %convert_element_type3A, %cond3A : i32
      scf.if %cond3A_40 {
        %add3A_104 = arith.constant 2 : i32
        %add3A_105 = arith.addi %add3A_33, %add3A_104 : i32
        %mul3A_106 = arith.constant 200 : i32
        %mul3A_107 = arith.muli %add3A_105, %mul3A_106 : i32
        %add3A_108 = arith.addi %mul3A_2, %mul3A_107 : i32
        %dma_start3A_109 = tpu.memref_slice %arg2[%add3A_108] : memref<819200xi32, #tpu.memory_space<hbm>> -> memref<200xi32, #tpu.memory_space<hbm>>
        %dma_start3A_110 = tpu.memref_slice %arg2[%add3A_108] : memref<819200xi32, #tpu.memory_space<hbm>> -> memref<200xi32, #tpu.memory_space<hbm>>
        tpu.enqueue_dma source(%dma_start3A_110 : memref<200xi32, #tpu.memory_space<hbm>>) target(%arg8 : memref<200xi32, #tpu.memory_space<vmem>>) target_semaphore(%arg16 : memref<!tpu.dma_semaphore, #tpu.memory_space<semaphore_mem>>)
      } else {
      }
      %add3A_41 = arith.constant 1 : i32
      %add3A_42 = arith.addi %add3A_33, %add3A_41 : i32
      %lt3A_43 = arith.constant 128 : i32
      %lt3A_44 = arith.cmpi slt, %add3A_42, %lt3A_43 : i32
      %convert_element_type3A_45 = arith.extui %lt3A_44 : i1 to i32
      %cond3A_46 = arith.constant 0 : i32
      %cond3A_47 = arith.cmpi ne, %convert_element_type3A_45, %cond3A_46 : i32
      scf.if %cond3A_47 {
        %dma_wait3A_104 = tpu.memref_slice %arg2[%mul3A_2] : memref<819200xi32, #tpu.memory_space<hbm>> -> memref<200xi32, #tpu.memory_space<hbm>>
        %dma_wait3A_105 = tpu.memref_slice %arg2[%mul3A_2] : memref<819200xi32, #tpu.memory_space<hbm>> -> memref<200xi32, #tpu.memory_space<hbm>>
        tpu.wait_dma2 semaphore(%arg17 : memref<!tpu.dma_semaphore, #tpu.memory_space<semaphore_mem>>) src(%dma_wait3A_105 : memref<200xi32, #tpu.memory_space<hbm>>) dst(%arg9 : memref<200xi32, #tpu.memory_space<vmem>>)
        %dma_start3A_106 = arith.constant 0 : i32
        %dma_start3A_107 = arith.constant 0 : i32
        %dma_start3A_108 = tpu.memref_slice %arg3[%dma_start3A_106, %dma_start3A_107] : memref<1000000x128xf32, #tpu.memory_space<hbm>> -> memref<1000000x128xf32, #tpu.memory_space<hbm>>
        tpu.enqueue_indirect_dma source(%dma_start3A_108 : memref<1000000x128xf32, #tpu.memory_space<hbm>>) target(%arg11 : memref<200x128xf32, #tpu.memory_space<vmem>>) offsets(%arg9 : memref<200xi32, #tpu.memory_space<vmem>>) semaphore(%arg14 : memref<!tpu.dma_semaphore, #tpu.memory_space<semaphore_mem>>)
      } else {
      }
      %ge3A = arith.constant 1 : i32
      %ge3A_48 = arith.cmpi sge, %add3A_33, %ge3A : i32
      %convert_element_type3A_49 = arith.extui %ge3A_48 : i1 to i32
      %cond3A_50 = arith.constant 0 : i32
      %cond3A_51 = arith.cmpi ne, %convert_element_type3A_49, %cond3A_50 : i32
      scf.if %cond3A_51 {
        %dma_wait3A_104 = arith.constant 0 : i32
        %dma_wait3A_105 = tpu.memref_slice %arg5[%mul3A_2, %dma_wait3A_104] : memref<819200x64xf32, #tpu.memory_space<hbm>> -> memref<200x64xf32, #tpu.memory_space<hbm>>
        %dma_wait3A_106 = arith.constant 0 : i32
        %dma_wait3A_107 = tpu.memref_slice %arg5[%mul3A_2, %dma_wait3A_106] : memref<819200x64xf32, #tpu.memory_space<hbm>> -> memref<200x64xf32, #tpu.memory_space<hbm>>
        tpu.wait_dma2 semaphore(%arg15 : memref<!tpu.dma_semaphore, #tpu.memory_space<semaphore_mem>>) src(%arg12 : memref<200x64xf32, #tpu.memory_space<vmem>>) dst(%dma_wait3A_107 : memref<200x64xf32, #tpu.memory_space<hbm>>)
      } else {
      }
      %scan3A_52 = arith.constant 0 : i32
      %scan3A_53 = arith.constant 0 : i32
      %scan3A_54 = arith.constant 50 : i32
      %scan3A_55 = arith.addi %scan3A_53, %scan3A_54 : i32
      %scan3A_56 = arith.constant 1 : i32
      scf.for %scan3A_104 = %scan3A_53 to %scan3A_55 step %scan3A_56  : i32 {
        %mul3A_105 = arith.constant 4 : i32
        %mul3A_106 = arith.muli %scan3A_104, %mul3A_105 : i32
        %add3A_107 = arith.constant 0 : i32
        %add3A_108 = arith.addi %mul3A_106, %add3A_107 : i32
        %get3A = arith.index_cast %add3A_108 : i32 to index
        %get3A_109 = arith.constant 0 : index
        %get3A_110 = tpu.vector_load %arg10[%get3A, %get3A_109] {strides = array<i32>} : memref<200x128xf32, #tpu.memory_space<vmem>>, vector<16xf32>,
        %get3A_111 = arith.index_cast %add3A_108 : i32 to index
        %get3A_112 = arith.constant 0 : index
        %get3A_113 = tpu.vector_load %arg7[%get3A_111, %get3A_112] {strides = array<i32>} : memref<200x64xf32, #tpu.memory_space<vmem>>, vector<16xf32>,
        %add3A_114 = arith.addf %get3A_110, %get3A_113 : vector<16xf32>
        %swap3A = arith.index_cast %add3A_108 : i32 to index
        %swap3A_115 = arith.constant 0 : index
        %swap3A_116 = tpu.vector_load %arg12[%swap3A, %swap3A_115] {strides = array<i32>} : memref<200x64xf32, #tpu.memory_space<vmem>>, vector<16xf32>,
        tpu.vector_store %arg12[%swap3A, %swap3A_115], %add3A_114 {strides = array<i32>} : memref<200x64xf32, #tpu.memory_space<vmem>>, vector<16xf32>,
        %get3A_117 = arith.index_cast %add3A_108 : i32 to index
        %get3A_118 = arith.constant 16 : index
        %get3A_119 = tpu.vector_load %arg10[%get3A_117, %get3A_118] {strides = array<i32>} : memref<200x128xf32, #tpu.memory_space<vmem>>, vector<16xf32>,
        %get3A_120 = arith.index_cast %add3A_108 : i32 to index
        %get3A_121 = arith.constant 16 : index
        %get3A_122 = tpu.vector_load %arg7[%get3A_120, %get3A_121] {strides = array<i32>} : memref<200x64xf32, #tpu.memory_space<vmem>>, vector<16xf32>,
        %add3A_123 = arith.addf %get3A_119, %get3A_122 : vector<16xf32>
        %swap3A_124 = arith.index_cast %add3A_108 : i32 to index
        %swap3A_125 = arith.constant 16 : index
        %swap3A_126 = tpu.vector_load %arg12[%swap3A_124, %swap3A_125] {strides = array<i32>} : memref<200x64xf32, #tpu.memory_space<vmem>>, vector<16xf32>,
        tpu.vector_store %arg12[%swap3A_124, %swap3A_125], %add3A_123 {strides = array<i32>} : memref<200x64xf32, #tpu.memory_space<vmem>>, vector<16xf32>,
        %get3A_127 = arith.index_cast %add3A_108 : i32 to index
        %get3A_128 = arith.constant 32 : index
        %get3A_129 = tpu.vector_load %arg10[%get3A_127, %get3A_128] {strides = array<i32>} : memref<200x128xf32, #tpu.memory_space<vmem>>, vector<16xf32>,
        %get3A_130 = arith.index_cast %add3A_108 : i32 to index
        %get3A_131 = arith.constant 32 : index
        %get3A_132 = tpu.vector_load %arg7[%get3A_130, %get3A_131] {strides = array<i32>} : memref<200x64xf32, #tpu.memory_space<vmem>>, vector<16xf32>,
        %add3A_133 = arith.addf %get3A_129, %get3A_132 : vector<16xf32>
        %swap3A_134 = arith.index_cast %add3A_108 : i32 to index
        %swap3A_135 = arith.constant 32 : index
        %swap3A_136 = tpu.vector_load %arg12[%swap3A_134, %swap3A_135] {strides = array<i32>} : memref<200x64xf32, #tpu.memory_space<vmem>>, vector<16xf32>,
        tpu.vector_store %arg12[%swap3A_134, %swap3A_135], %add3A_133 {strides = array<i32>} : memref<200x64xf32, #tpu.memory_space<vmem>>, vector<16xf32>,
        %get3A_137 = arith.index_cast %add3A_108 : i32 to index
        %get3A_138 = arith.constant 48 : index
        %get3A_139 = tpu.vector_load %arg10[%get3A_137, %get3A_138] {strides = array<i32>} : memref<200x128xf32, #tpu.memory_space<vmem>>, vector<16xf32>,
        %get3A_140 = arith.index_cast %add3A_108 : i32 to index
        %get3A_141 = arith.constant 48 : index
        %get3A_142 = tpu.vector_load %arg7[%get3A_140, %get3A_141] {strides = array<i32>} : memref<200x64xf32, #tpu.memory_space<vmem>>, vector<16xf32>,
        %add3A_143 = arith.addf %get3A_139, %get3A_142 : vector<16xf32>
        %swap3A_144 = arith.index_cast %add3A_108 : i32 to index
        %swap3A_145 = arith.constant 48 : index
        %swap3A_146 = tpu.vector_load %arg12[%swap3A_144, %swap3A_145] {strides = array<i32>} : memref<200x64xf32, #tpu.memory_space<vmem>>, vector<16xf32>,
        tpu.vector_store %arg12[%swap3A_144, %swap3A_145], %add3A_143 {strides = array<i32>} : memref<200x64xf32, #tpu.memory_space<vmem>>, vector<16xf32>,
        %mul3A_147 = arith.constant 4 : i32
        %mul3A_148 = arith.muli %scan3A_104, %mul3A_147 : i32
        %add3A_149 = arith.constant 1 : i32
        %add3A_150 = arith.addi %mul3A_148, %add3A_149 : i32
        %get3A_151 = arith.index_cast %add3A_150 : i32 to index
        %get3A_152 = arith.constant 0 : index
        %get3A_153 = tpu.vector_load %arg10[%get3A_151, %get3A_152] {strides = array<i32>} : memref<200x128xf32, #tpu.memory_space<vmem>>, vector<16xf32>,
        %get3A_154 = arith.index_cast %add3A_150 : i32 to index
        %get3A_155 = arith.constant 0 : index
        %get3A_156 = tpu.vector_load %arg7[%get3A_154, %get3A_155] {strides = array<i32>} : memref<200x64xf32, #tpu.memory_space<vmem>>, vector<16xf32>,
        %add3A_157 = arith.addf %get3A_153, %get3A_156 : vector<16xf32>
        %swap3A_158 = arith.index_cast %add3A_150 : i32 to index
        %swap3A_159 = arith.constant 0 : index
        %swap3A_160 = tpu.vector_load %arg12[%swap3A_158, %swap3A_159] {strides = array<i32>} : memref<200x64xf32, #tpu.memory_space<vmem>>, vector<16xf32>,
        tpu.vector_store %arg12[%swap3A_158, %swap3A_159], %add3A_157 {strides = array<i32>} : memref<200x64xf32, #tpu.memory_space<vmem>>, vector<16xf32>,
        %get3A_161 = arith.index_cast %add3A_150 : i32 to index
        %get3A_162 = arith.constant 16 : index
        %get3A_163 = tpu.vector_load %arg10[%get3A_161, %get3A_162] {strides = array<i32>} : memref<200x128xf32, #tpu.memory_space<vmem>>, vector<16xf32>,
        %get3A_164 = arith.index_cast %add3A_150 : i32 to index
        %get3A_165 = arith.constant 16 : index
        %get3A_166 = tpu.vector_load %arg7[%get3A_164, %get3A_165] {strides = array<i32>} : memref<200x64xf32, #tpu.memory_space<vmem>>, vector<16xf32>,
        %add3A_167 = arith.addf %get3A_163, %get3A_166 : vector<16xf32>
        %swap3A_168 = arith.index_cast %add3A_150 : i32 to index
        %swap3A_169 = arith.constant 16 : index
        %swap3A_170 = tpu.vector_load %arg12[%swap3A_168, %swap3A_169] {strides = array<i32>} : memref<200x64xf32, #tpu.memory_space<vmem>>, vector<16xf32>,
        tpu.vector_store %arg12[%swap3A_168, %swap3A_169], %add3A_167 {strides = array<i32>} : memref<200x64xf32, #tpu.memory_space<vmem>>, vector<16xf32>,
        %get3A_171 = arith.index_cast %add3A_150 : i32 to index
        %get3A_172 = arith.constant 32 : index
        %get3A_173 = tpu.vector_load %arg10[%get3A_171, %get3A_172] {strides = array<i32>} : memref<200x128xf32, #tpu.memory_space<vmem>>, vector<16xf32>,
        %get3A_174 = arith.index_cast %add3A_150 : i32 to index
        %get3A_175 = arith.constant 32 : index
        %get3A_176 = tpu.vector_load %arg7[%get3A_174, %get3A_175] {strides = array<i32>} : memref<200x64xf32, #tpu.memory_space<vmem>>, vector<16xf32>,
        %add3A_177 = arith.addf %get3A_173, %get3A_176 : vector<16xf32>
        %swap3A_178 = arith.index_cast %add3A_150 : i32 to index
        %swap3A_179 = arith.constant 32 : index
        %swap3A_180 = tpu.vector_load %arg12[%swap3A_178, %swap3A_179] {strides = array<i32>} : memref<200x64xf32, #tpu.memory_space<vmem>>, vector<16xf32>,
        tpu.vector_store %arg12[%swap3A_178, %swap3A_179], %add3A_177 {strides = array<i32>} : memref<200x64xf32, #tpu.memory_space<vmem>>, vector<16xf32>,
        %get3A_181 = arith.index_cast %add3A_150 : i32 to index
        %get3A_182 = arith.constant 48 : index
        %get3A_183 = tpu.vector_load %arg10[%get3A_181, %get3A_182] {strides = array<i32>} : memref<200x128xf32, #tpu.memory_space<vmem>>, vector<16xf32>,
        %get3A_184 = arith.index_cast %add3A_150 : i32 to index
        %get3A_185 = arith.constant 48 : index
        %get3A_186 = tpu.vector_load %arg7[%get3A_184, %get3A_185] {strides = array<i32>} : memref<200x64xf32, #tpu.memory_space<vmem>>, vector<16xf32>,
        %add3A_187 = arith.addf %get3A_183, %get3A_186 : vector<16xf32>
        %swap3A_188 = arith.index_cast %add3A_150 : i32 to index
        %swap3A_189 = arith.constant 48 : index
        %swap3A_190 = tpu.vector_load %arg12[%swap3A_188, %swap3A_189] {strides = array<i32>} : memref<200x64xf32, #tpu.memory_space<vmem>>, vector<16xf32>,
        tpu.vector_store %arg12[%swap3A_188, %swap3A_189], %add3A_187 {strides = array<i32>} : memref<200x64xf32, #tpu.memory_space<vmem>>, vector<16xf32>,
        %mul3A_191 = arith.constant 4 : i32
        %mul3A_192 = arith.muli %scan3A_104, %mul3A_191 : i32
        %add3A_193 = arith.constant 2 : i32
        %add3A_194 = arith.addi %mul3A_192, %add3A_193 : i32
        %get3A_195 = arith.index_cast %add3A_194 : i32 to index
        %get3A_196 = arith.constant 0 : index
        %get3A_197 = tpu.vector_load %arg10[%get3A_195, %get3A_196] {strides = array<i32>} : memref<200x128xf32, #tpu.memory_space<vmem>>, vector<16xf32>,
        %get3A_198 = arith.index_cast %add3A_194 : i32 to index
        %get3A_199 = arith.constant 0 : index
        %get3A_200 = tpu.vector_load %arg7[%get3A_198, %get3A_199] {strides = array<i32>} : memref<200x64xf32, #tpu.memory_space<vmem>>, vector<16xf32>,
        %add3A_201 = arith.addf %get3A_197, %get3A_200 : vector<16xf32>
        %swap3A_202 = arith.index_cast %add3A_194 : i32 to index
        %swap3A_203 = arith.constant 0 : index
        %swap3A_204 = tpu.vector_load %arg12[%swap3A_202, %swap3A_203] {strides = array<i32>} : memref<200x64xf32, #tpu.memory_space<vmem>>, vector<16xf32>,
        tpu.vector_store %arg12[%swap3A_202, %swap3A_203], %add3A_201 {strides = array<i32>} : memref<200x64xf32, #tpu.memory_space<vmem>>, vector<16xf32>,
        %get3A_205 = arith.index_cast %add3A_194 : i32 to index
        %get3A_206 = arith.constant 16 : index
        %get3A_207 = tpu.vector_load %arg10[%get3A_205, %get3A_206] {strides = array<i32>} : memref<200x128xf32, #tpu.memory_space<vmem>>, vector<16xf32>,
        %get3A_208 = arith.index_cast %add3A_194 : i32 to index
        %get3A_209 = arith.constant 16 : index
        %get3A_210 = tpu.vector_load %arg7[%get3A_208, %get3A_209] {strides = array<i32>} : memref<200x64xf32, #tpu.memory_space<vmem>>, vector<16xf32>,
        %add3A_211 = arith.addf %get3A_207, %get3A_210 : vector<16xf32>
        %swap3A_212 = arith.index_cast %add3A_194 : i32 to index
        %swap3A_213 = arith.constant 16 : index
        %swap3A_214 = tpu.vector_load %arg12[%swap3A_212, %swap3A_213] {strides = array<i32>} : memref<200x64xf32, #tpu.memory_space<vmem>>, vector<16xf32>,
        tpu.vector_store %arg12[%swap3A_212, %swap3A_213], %add3A_211 {strides = array<i32>} : memref<200x64xf32, #tpu.memory_space<vmem>>, vector<16xf32>,
        %get3A_215 = arith.index_cast %add3A_194 : i32 to index
        %get3A_216 = arith.constant 32 : index
        %get3A_217 = tpu.vector_load %arg10[%get3A_215, %get3A_216] {strides = array<i32>} : memref<200x128xf32, #tpu.memory_space<vmem>>, vector<16xf32>,
        %get3A_218 = arith.index_cast %add3A_194 : i32 to index
        %get3A_219 = arith.constant 32 : index
        %get3A_220 = tpu.vector_load %arg7[%get3A_218, %get3A_219] {strides = array<i32>} : memref<200x64xf32, #tpu.memory_space<vmem>>, vector<16xf32>,
        %add3A_221 = arith.addf %get3A_217, %get3A_220 : vector<16xf32>
        %swap3A_222 = arith.index_cast %add3A_194 : i32 to index
        %swap3A_223 = arith.constant 32 : index
        %swap3A_224 = tpu.vector_load %arg12[%swap3A_222, %swap3A_223] {strides = array<i32>} : memref<200x64xf32, #tpu.memory_space<vmem>>, vector<16xf32>,
        tpu.vector_store %arg12[%swap3A_222, %swap3A_223], %add3A_221 {strides = array<i32>} : memref<200x64xf32, #tpu.memory_space<vmem>>, vector<16xf32>,
        %get3A_225 = arith.index_cast %add3A_194 : i32 to index
        %get3A_226 = arith.constant 48 : index
        %get3A_227 = tpu.vector_load %arg10[%get3A_225, %get3A_226] {strides = array<i32>} : memref<200x128xf32, #tpu.memory_space<vmem>>, vector<16xf32>,
        %get3A_228 = arith.index_cast %add3A_194 : i32 to index
        %get3A_229 = arith.constant 48 : index
        %get3A_230 = tpu.vector_load %arg7[%get3A_228, %get3A_229] {strides = array<i32>} : memref<200x64xf32, #tpu.memory_space<vmem>>, vector<16xf32>,
        %add3A_231 = arith.addf %get3A_227, %get3A_230 : vector<16xf32>
        %swap3A_232 = arith.index_cast %add3A_194 : i32 to index
        %swap3A_233 = arith.constant 48 : index
        %swap3A_234 = tpu.vector_load %arg12[%swap3A_232, %swap3A_233] {strides = array<i32>} : memref<200x64xf32, #tpu.memory_space<vmem>>, vector<16xf32>,
        tpu.vector_store %arg12[%swap3A_232, %swap3A_233], %add3A_231 {strides = array<i32>} : memref<200x64xf32, #tpu.memory_space<vmem>>, vector<16xf32>,
        %mul3A_235 = arith.constant 4 : i32
        %mul3A_236 = arith.muli %scan3A_104, %mul3A_235 : i32
        %add3A_237 = arith.constant 3 : i32
        %add3A_238 = arith.addi %mul3A_236, %add3A_237 : i32
        %get3A_239 = arith.index_cast %add3A_238 : i32 to index
        %get3A_240 = arith.constant 0 : index
        %get3A_241 = tpu.vector_load %arg10[%get3A_239, %get3A_240] {strides = array<i32>} : memref<200x128xf32, #tpu.memory_space<vmem>>, vector<16xf32>,
        %get3A_242 = arith.index_cast %add3A_238 : i32 to index
        %get3A_243 = arith.constant 0 : index
        %get3A_244 = tpu.vector_load %arg7[%get3A_242, %get3A_243] {strides = array<i32>} : memref<200x64xf32, #tpu.memory_space<vmem>>, vector<16xf32>,
        %add3A_245 = arith.addf %get3A_241, %get3A_244 : vector<16xf32>
        %swap3A_246 = arith.index_cast %add3A_238 : i32 to index
        %swap3A_247 = arith.constant 0 : index
        %swap3A_248 = tpu.vector_load %arg12[%swap3A_246, %swap3A_247] {strides = array<i32>} : memref<200x64xf32, #tpu.memory_space<vmem>>, vector<16xf32>,
        tpu.vector_store %arg12[%swap3A_246, %swap3A_247], %add3A_245 {strides = array<i32>} : memref<200x64xf32, #tpu.memory_space<vmem>>, vector<16xf32>,
        %get3A_249 = arith.index_cast %add3A_238 : i32 to index
        %get3A_250 = arith.constant 16 : index
        %get3A_251 = tpu.vector_load %arg10[%get3A_249, %get3A_250] {strides = array<i32>} : memref<200x128xf32, #tpu.memory_space<vmem>>, vector<16xf32>,
        %get3A_252 = arith.index_cast %add3A_238 : i32 to index
        %get3A_253 = arith.constant 16 : index
        %get3A_254 = tpu.vector_load %arg7[%get3A_252, %get3A_253] {strides = array<i32>} : memref<200x64xf32, #tpu.memory_space<vmem>>, vector<16xf32>,
        %add3A_255 = arith.addf %get3A_251, %get3A_254 : vector<16xf32>
        %swap3A_256 = arith.index_cast %add3A_238 : i32 to index
        %swap3A_257 = arith.constant 16 : index
        %swap3A_258 = tpu.vector_load %arg12[%swap3A_256, %swap3A_257] {strides = array<i32>} : memref<200x64xf32, #tpu.memory_space<vmem>>, vector<16xf32>,
        tpu.vector_store %arg12[%swap3A_256, %swap3A_257], %add3A_255 {strides = array<i32>} : memref<200x64xf32, #tpu.memory_space<vmem>>, vector<16xf32>,
        %get3A_259 = arith.index_cast %add3A_238 : i32 to index
        %get3A_260 = arith.constant 32 : index
        %get3A_261 = tpu.vector_load %arg10[%get3A_259, %get3A_260] {strides = array<i32>} : memref<200x128xf32, #tpu.memory_space<vmem>>, vector<16xf32>,
        %get3A_262 = arith.index_cast %add3A_238 : i32 to index
        %get3A_263 = arith.constant 32 : index
        %get3A_264 = tpu.vector_load %arg7[%get3A_262, %get3A_263] {strides = array<i32>} : memref<200x64xf32, #tpu.memory_space<vmem>>, vector<16xf32>,
        %add3A_265 = arith.addf %get3A_261, %get3A_264 : vector<16xf32>
        %swap3A_266 = arith.index_cast %add3A_238 : i32 to index
        %swap3A_267 = arith.constant 32 : index
        %swap3A_268 = tpu.vector_load %arg12[%swap3A_266, %swap3A_267] {strides = array<i32>} : memref<200x64xf32, #tpu.memory_space<vmem>>, vector<16xf32>,
        tpu.vector_store %arg12[%swap3A_266, %swap3A_267], %add3A_265 {strides = array<i32>} : memref<200x64xf32, #tpu.memory_space<vmem>>, vector<16xf32>,
        %get3A_269 = arith.index_cast %add3A_238 : i32 to index
        %get3A_270 = arith.constant 48 : index
        %get3A_271 = tpu.vector_load %arg10[%get3A_269, %get3A_270] {strides = array<i32>} : memref<200x128xf32, #tpu.memory_space<vmem>>, vector<16xf32>,
        %get3A_272 = arith.index_cast %add3A_238 : i32 to index
        %get3A_273 = arith.constant 48 : index
        %get3A_274 = tpu.vector_load %arg7[%get3A_272, %get3A_273] {strides = array<i32>} : memref<200x64xf32, #tpu.memory_space<vmem>>, vector<16xf32>,
        %add3A_275 = arith.addf %get3A_271, %get3A_274 : vector<16xf32>
        %swap3A_276 = arith.index_cast %add3A_238 : i32 to index
        %swap3A_277 = arith.constant 48 : index
        %swap3A_278 = tpu.vector_load %arg12[%swap3A_276, %swap3A_277] {strides = array<i32>} : memref<200x64xf32, #tpu.memory_space<vmem>>, vector<16xf32>,
        tpu.vector_store %arg12[%swap3A_276, %swap3A_277], %add3A_275 {strides = array<i32>} : memref<200x64xf32, #tpu.memory_space<vmem>>, vector<16xf32>,
      }
      %scan3A_57 = arith.constant 50 : i32
      %mul3A_58 = arith.constant 200 : i32
      %mul3A_59 = arith.muli %add3A_33, %mul3A_58 : i32
      %add3A_60 = arith.addi %mul3A_2, %mul3A_59 : i32
      %dma_start3A_61 = arith.constant 0 : i32
      %dma_start3A_62 = tpu.memref_slice %arg5[%add3A_60, %dma_start3A_61] : memref<819200x64xf32, #tpu.memory_space<hbm>> -> memref<200x64xf32, #tpu.memory_space<hbm>>
      %dma_start3A_63 = arith.constant 0 : i32
      %dma_start3A_64 = tpu.memref_slice %arg5[%add3A_60, %dma_start3A_63] : memref<819200x64xf32, #tpu.memory_space<hbm>> -> memref<200x64xf32, #tpu.memory_space<hbm>>
      tpu.enqueue_dma source(%arg12 : memref<200x64xf32, #tpu.memory_space<vmem>>) target(%dma_start3A_64 : memref<200x64xf32, #tpu.memory_space<hbm>>) target_semaphore(%arg15 : memref<!tpu.dma_semaphore, #tpu.memory_space<semaphore_mem>>)
      %mul3A_65 = arith.constant 2 : i32
      %mul3A_66 = arith.muli %scan3A_29, %mul3A_65 : i32
      %add3A_67 = arith.constant 1 : i32
      %add3A_68 = arith.addi %mul3A_66, %add3A_67 : i32
      %dma_wait3A_69 = arith.constant 0 : i32
      %dma_wait3A_70 = arith.constant 0 : i32
      %dma_wait3A_71 = tpu.memref_slice %arg3[%dma_wait3A_69, %dma_wait3A_70] : memref<1000000x128xf32, #tpu.memory_space<hbm>> -> memref<1000000x128xf32, #tpu.memory_space<hbm>>
      tpu.wait_indirect_dma semaphore(%arg14 : memref<!tpu.dma_semaphore, #tpu.memory_space<semaphore_mem>>) src(%dma_wait3A_71 : memref<1000000x128xf32, #tpu.memory_space<hbm>>) dst(%arg11 : memref<200x128xf32, #tpu.memory_space<vmem>>)
      %add3A_72 = arith.constant 2 : i32
      %add3A_73 = arith.addi %add3A_68, %add3A_72 : i32
      %lt3A_74 = arith.constant 128 : i32
      %lt3A_75 = arith.cmpi slt, %add3A_73, %lt3A_74 : i32
      %convert_element_type3A_76 = arith.extui %lt3A_75 : i1 to i32
      %cond3A_77 = arith.constant 0 : i32
      %cond3A_78 = arith.cmpi ne, %convert_element_type3A_76, %cond3A_77 : i32
      scf.if %cond3A_78 {
        %add3A_104 = arith.constant 2 : i32
        %add3A_105 = arith.addi %add3A_68, %add3A_104 : i32
        %mul3A_106 = arith.constant 200 : i32
        %mul3A_107 = arith.muli %add3A_105, %mul3A_106 : i32
        %add3A_108 = arith.addi %mul3A_2, %mul3A_107 : i32
        %dma_start3A_109 = tpu.memref_slice %arg2[%add3A_108] : memref<819200xi32, #tpu.memory_space<hbm>> -> memref<200xi32, #tpu.memory_space<hbm>>
        %dma_start3A_110 = tpu.memref_slice %arg2[%add3A_108] : memref<819200xi32, #tpu.memory_space<hbm>> -> memref<200xi32, #tpu.memory_space<hbm>>
        tpu.enqueue_dma source(%dma_start3A_110 : memref<200xi32, #tpu.memory_space<hbm>>) target(%arg9 : memref<200xi32, #tpu.memory_space<vmem>>) target_semaphore(%arg17 : memref<!tpu.dma_semaphore, #tpu.memory_space<semaphore_mem>>)
      } else {
      }
      %add3A_79 = arith.constant 1 : i32
      %add3A_80 = arith.addi %add3A_68, %add3A_79 : i32
      %lt3A_81 = arith.constant 128 : i32
      %lt3A_82 = arith.cmpi slt, %add3A_80, %lt3A_81 : i32
      %convert_element_type3A_83 = arith.extui %lt3A_82 : i1 to i32
      %cond3A_84 = arith.constant 0 : i32
      %cond3A_85 = arith.cmpi ne, %convert_element_type3A_83, %cond3A_84 : i32
      scf.if %cond3A_85 {
        %dma_wait3A_104 = tpu.memref_slice %arg2[%mul3A_2] : memref<819200xi32, #tpu.memory_space<hbm>> -> memref<200xi32, #tpu.memory_space<hbm>>
        %dma_wait3A_105 = tpu.memref_slice %arg2[%mul3A_2] : memref<819200xi32, #tpu.memory_space<hbm>> -> memref<200xi32, #tpu.memory_space<hbm>>
        tpu.wait_dma2 semaphore(%arg16 : memref<!tpu.dma_semaphore, #tpu.memory_space<semaphore_mem>>) src(%dma_wait3A_105 : memref<200xi32, #tpu.memory_space<hbm>>) dst(%arg8 : memref<200xi32, #tpu.memory_space<vmem>>)
        %dma_start3A_106 = arith.constant 0 : i32
        %dma_start3A_107 = arith.constant 0 : i32
        %dma_start3A_108 = tpu.memref_slice %arg3[%dma_start3A_106, %dma_start3A_107] : memref<1000000x128xf32, #tpu.memory_space<hbm>> -> memref<1000000x128xf32, #tpu.memory_space<hbm>>
        tpu.enqueue_indirect_dma source(%dma_start3A_108 : memref<1000000x128xf32, #tpu.memory_space<hbm>>) target(%arg10 : memref<200x128xf32, #tpu.memory_space<vmem>>) offsets(%arg8 : memref<200xi32, #tpu.memory_space<vmem>>) semaphore(%arg13 : memref<!tpu.dma_semaphore, #tpu.memory_space<semaphore_mem>>)
      } else {
      }
      %ge3A_86 = arith.constant 1 : i32
      %ge3A_87 = arith.cmpi sge, %add3A_68, %ge3A_86 : i32
      %convert_element_type3A_88 = arith.extui %ge3A_87 : i1 to i32
      %cond3A_89 = arith.constant 0 : i32
      %cond3A_90 = arith.cmpi ne, %convert_element_type3A_88, %cond3A_89 : i32
      scf.if %cond3A_90 {
        %dma_wait3A_104 = arith.constant 0 : i32
        %dma_wait3A_105 = tpu.memref_slice %arg5[%mul3A_2, %dma_wait3A_104] : memref<819200x64xf32, #tpu.memory_space<hbm>> -> memref<200x64xf32, #tpu.memory_space<hbm>>
        %dma_wait3A_106 = arith.constant 0 : i32
        %dma_wait3A_107 = tpu.memref_slice %arg5[%mul3A_2, %dma_wait3A_106] : memref<819200x64xf32, #tpu.memory_space<hbm>> -> memref<200x64xf32, #tpu.memory_space<hbm>>
        tpu.wait_dma2 semaphore(%arg15 : memref<!tpu.dma_semaphore, #tpu.memory_space<semaphore_mem>>) src(%arg12 : memref<200x64xf32, #tpu.memory_space<vmem>>) dst(%dma_wait3A_107 : memref<200x64xf32, #tpu.memory_space<hbm>>)
      } else {
      }
      %scan3A_91 = arith.constant 0 : i32
      %scan3A_92 = arith.constant 0 : i32
      %scan3A_93 = arith.constant 50 : i32
      %scan3A_94 = arith.addi %scan3A_92, %scan3A_93 : i32
      %scan3A_95 = arith.constant 1 : i32
      scf.for %scan3A_104 = %scan3A_92 to %scan3A_94 step %scan3A_95  : i32 {
        %mul3A_105 = arith.constant 4 : i32
        %mul3A_106 = arith.muli %scan3A_104, %mul3A_105 : i32
        %add3A_107 = arith.constant 0 : i32
        %add3A_108 = arith.addi %mul3A_106, %add3A_107 : i32
        %get3A = arith.index_cast %add3A_108 : i32 to index
        %get3A_109 = arith.constant 0 : index
        %get3A_110 = tpu.vector_load %arg11[%get3A, %get3A_109] {strides = array<i32>} : memref<200x128xf32, #tpu.memory_space<vmem>>, vector<16xf32>,
        %get3A_111 = arith.index_cast %add3A_108 : i32 to index
        %get3A_112 = arith.constant 0 : index
        %get3A_113 = tpu.vector_load %arg7[%get3A_111, %get3A_112] {strides = array<i32>} : memref<200x64xf32, #tpu.memory_space<vmem>>, vector<16xf32>,
        %add3A_114 = arith.addf %get3A_110, %get3A_113 : vector<16xf32>
        %swap3A = arith.index_cast %add3A_108 : i32 to index
        %swap3A_115 = arith.constant 0 : index
        %swap3A_116 = tpu.vector_load %arg12[%swap3A, %swap3A_115] {strides = array<i32>} : memref<200x64xf32, #tpu.memory_space<vmem>>, vector<16xf32>,
        tpu.vector_store %arg12[%swap3A, %swap3A_115], %add3A_114 {strides = array<i32>} : memref<200x64xf32, #tpu.memory_space<vmem>>, vector<16xf32>,
        %get3A_117 = arith.index_cast %add3A_108 : i32 to index
        %get3A_118 = arith.constant 16 : index
        %get3A_119 = tpu.vector_load %arg11[%get3A_117, %get3A_118] {strides = array<i32>} : memref<200x128xf32, #tpu.memory_space<vmem>>, vector<16xf32>,
        %get3A_120 = arith.index_cast %add3A_108 : i32 to index
        %get3A_121 = arith.constant 16 : index
        %get3A_122 = tpu.vector_load %arg7[%get3A_120, %get3A_121] {strides = array<i32>} : memref<200x64xf32, #tpu.memory_space<vmem>>, vector<16xf32>,
        %add3A_123 = arith.addf %get3A_119, %get3A_122 : vector<16xf32>
        %swap3A_124 = arith.index_cast %add3A_108 : i32 to index
        %swap3A_125 = arith.constant 16 : index
        %swap3A_126 = tpu.vector_load %arg12[%swap3A_124, %swap3A_125] {strides = array<i32>} : memref<200x64xf32, #tpu.memory_space<vmem>>, vector<16xf32>,
        tpu.vector_store %arg12[%swap3A_124, %swap3A_125], %add3A_123 {strides = array<i32>} : memref<200x64xf32, #tpu.memory_space<vmem>>, vector<16xf32>,
        %get3A_127 = arith.index_cast %add3A_108 : i32 to index
        %get3A_128 = arith.constant 32 : index
        %get3A_129 = tpu.vector_load %arg11[%get3A_127, %get3A_128] {strides = array<i32>} : memref<200x128xf32, #tpu.memory_space<vmem>>, vector<16xf32>,
        %get3A_130 = arith.index_cast %add3A_108 : i32 to index
        %get3A_131 = arith.constant 32 : index
        %get3A_132 = tpu.vector_load %arg7[%get3A_130, %get3A_131] {strides = array<i32>} : memref<200x64xf32, #tpu.memory_space<vmem>>, vector<16xf32>,
        %add3A_133 = arith.addf %get3A_129, %get3A_132 : vector<16xf32>
        %swap3A_134 = arith.index_cast %add3A_108 : i32 to index
        %swap3A_135 = arith.constant 32 : index
        %swap3A_136 = tpu.vector_load %arg12[%swap3A_134, %swap3A_135] {strides = array<i32>} : memref<200x64xf32, #tpu.memory_space<vmem>>, vector<16xf32>,
        tpu.vector_store %arg12[%swap3A_134, %swap3A_135], %add3A_133 {strides = array<i32>} : memref<200x64xf32, #tpu.memory_space<vmem>>, vector<16xf32>,
        %get3A_137 = arith.index_cast %add3A_108 : i32 to index
        %get3A_138 = arith.constant 48 : index
        %get3A_139 = tpu.vector_load %arg11[%get3A_137, %get3A_138] {strides = array<i32>} : memref<200x128xf32, #tpu.memory_space<vmem>>, vector<16xf32>,
        %get3A_140 = arith.index_cast %add3A_108 : i32 to index
        %get3A_141 = arith.constant 48 : index
        %get3A_142 = tpu.vector_load %arg7[%get3A_140, %get3A_141] {strides = array<i32>} : memref<200x64xf32, #tpu.memory_space<vmem>>, vector<16xf32>,
        %add3A_143 = arith.addf %get3A_139, %get3A_142 : vector<16xf32>
        %swap3A_144 = arith.index_cast %add3A_108 : i32 to index
        %swap3A_145 = arith.constant 48 : index
        %swap3A_146 = tpu.vector_load %arg12[%swap3A_144, %swap3A_145] {strides = array<i32>} : memref<200x64xf32, #tpu.memory_space<vmem>>, vector<16xf32>,
        tpu.vector_store %arg12[%swap3A_144, %swap3A_145], %add3A_143 {strides = array<i32>} : memref<200x64xf32, #tpu.memory_space<vmem>>, vector<16xf32>,
        %mul3A_147 = arith.constant 4 : i32
        %mul3A_148 = arith.muli %scan3A_104, %mul3A_147 : i32
        %add3A_149 = arith.constant 1 : i32
        %add3A_150 = arith.addi %mul3A_148, %add3A_149 : i32
        %get3A_151 = arith.index_cast %add3A_150 : i32 to index
        %get3A_152 = arith.constant 0 : index
        %get3A_153 = tpu.vector_load %arg11[%get3A_151, %get3A_152] {strides = array<i32>} : memref<200x128xf32, #tpu.memory_space<vmem>>, vector<16xf32>,
        %get3A_154 = arith.index_cast %add3A_150 : i32 to index
        %get3A_155 = arith.constant 0 : index
        %get3A_156 = tpu.vector_load %arg7[%get3A_154, %get3A_155] {strides = array<i32>} : memref<200x64xf32, #tpu.memory_space<vmem>>, vector<16xf32>,
        %add3A_157 = arith.addf %get3A_153, %get3A_156 : vector<16xf32>
        %swap3A_158 = arith.index_cast %add3A_150 : i32 to index
        %swap3A_159 = arith.constant 0 : index
        %swap3A_160 = tpu.vector_load %arg12[%swap3A_158, %swap3A_159] {strides = array<i32>} : memref<200x64xf32, #tpu.memory_space<vmem>>, vector<16xf32>,
        tpu.vector_store %arg12[%swap3A_158, %swap3A_159], %add3A_157 {strides = array<i32>} : memref<200x64xf32, #tpu.memory_space<vmem>>, vector<16xf32>,
        %get3A_161 = arith.index_cast %add3A_150 : i32 to index
        %get3A_162 = arith.constant 16 : index
        %get3A_163 = tpu.vector_load %arg11[%get3A_161, %get3A_162] {strides = array<i32>} : memref<200x128xf32, #tpu.memory_space<vmem>>, vector<16xf32>,
        %get3A_164 = arith.index_cast %add3A_150 : i32 to index
        %get3A_165 = arith.constant 16 : index
        %get3A_166 = tpu.vector_load %arg7[%get3A_164, %get3A_165] {strides = array<i32>} : memref<200x64xf32, #tpu.memory_space<vmem>>, vector<16xf32>,
        %add3A_167 = arith.addf %get3A_163, %get3A_166 : vector<16xf32>
        %swap3A_168 = arith.index_cast %add3A_150 : i32 to index
        %swap3A_169 = arith.constant 16 : index
        %swap3A_170 = tpu.vector_load %arg12[%swap3A_168, %swap3A_169] {strides = array<i32>} : memref<200x64xf32, #tpu.memory_space<vmem>>, vector<16xf32>,
        tpu.vector_store %arg12[%swap3A_168, %swap3A_169], %add3A_167 {strides = array<i32>} : memref<200x64xf32, #tpu.memory_space<vmem>>, vector<16xf32>,
        %get3A_171 = arith.index_cast %add3A_150 : i32 to index
        %get3A_172 = arith.constant 32 : index
        %get3A_173 = tpu.vector_load %arg11[%get3A_171, %get3A_172] {strides = array<i32>} : memref<200x128xf32, #tpu.memory_space<vmem>>, vector<16xf32>,
        %get3A_174 = arith.index_cast %add3A_150 : i32 to index
        %get3A_175 = arith.constant 32 : index
        %get3A_176 = tpu.vector_load %arg7[%get3A_174, %get3A_175] {strides = array<i32>} : memref<200x64xf32, #tpu.memory_space<vmem>>, vector<16xf32>,
        %add3A_177 = arith.addf %get3A_173, %get3A_176 : vector<16xf32>
        %swap3A_178 = arith.index_cast %add3A_150 : i32 to index
        %swap3A_179 = arith.constant 32 : index
        %swap3A_180 = tpu.vector_load %arg12[%swap3A_178, %swap3A_179] {strides = array<i32>} : memref<200x64xf32, #tpu.memory_space<vmem>>, vector<16xf32>,
        tpu.vector_store %arg12[%swap3A_178, %swap3A_179], %add3A_177 {strides = array<i32>} : memref<200x64xf32, #tpu.memory_space<vmem>>, vector<16xf32>,
        %get3A_181 = arith.index_cast %add3A_150 : i32 to index
        %get3A_182 = arith.constant 48 : index
        %get3A_183 = tpu.vector_load %arg11[%get3A_181, %get3A_182] {strides = array<i32>} : memref<200x128xf32, #tpu.memory_space<vmem>>, vector<16xf32>,
        %get3A_184 = arith.index_cast %add3A_150 : i32 to index
        %get3A_185 = arith.constant 48 : index
        %get3A_186 = tpu.vector_load %arg7[%get3A_184, %get3A_185] {strides = array<i32>} : memref<200x64xf32, #tpu.memory_space<vmem>>, vector<16xf32>,
        %add3A_187 = arith.addf %get3A_183, %get3A_186 : vector<16xf32>
        %swap3A_188 = arith.index_cast %add3A_150 : i32 to index
        %swap3A_189 = arith.constant 48 : index
        %swap3A_190 = tpu.vector_load %arg12[%swap3A_188, %swap3A_189] {strides = array<i32>} : memref<200x64xf32, #tpu.memory_space<vmem>>, vector<16xf32>,
        tpu.vector_store %arg12[%swap3A_188, %swap3A_189], %add3A_187 {strides = array<i32>} : memref<200x64xf32, #tpu.memory_space<vmem>>, vector<16xf32>,
        %mul3A_191 = arith.constant 4 : i32
        %mul3A_192 = arith.muli %scan3A_104, %mul3A_191 : i32
        %add3A_193 = arith.constant 2 : i32
        %add3A_194 = arith.addi %mul3A_192, %add3A_193 : i32
        %get3A_195 = arith.index_cast %add3A_194 : i32 to index
        %get3A_196 = arith.constant 0 : index
        %get3A_197 = tpu.vector_load %arg11[%get3A_195, %get3A_196] {strides = array<i32>} : memref<200x128xf32, #tpu.memory_space<vmem>>, vector<16xf32>,
        %get3A_198 = arith.index_cast %add3A_194 : i32 to index
        %get3A_199 = arith.constant 0 : index
        %get3A_200 = tpu.vector_load %arg7[%get3A_198, %get3A_199] {strides = array<i32>} : memref<200x64xf32, #tpu.memory_space<vmem>>, vector<16xf32>,
        %add3A_201 = arith.addf %get3A_197, %get3A_200 : vector<16xf32>
        %swap3A_202 = arith.index_cast %add3A_194 : i32 to index
        %swap3A_203 = arith.constant 0 : index
        %swap3A_204 = tpu.vector_load %arg12[%swap3A_202, %swap3A_203] {strides = array<i32>} : memref<200x64xf32, #tpu.memory_space<vmem>>, vector<16xf32>,
        tpu.vector_store %arg12[%swap3A_202, %swap3A_203], %add3A_201 {strides = array<i32>} : memref<200x64xf32, #tpu.memory_space<vmem>>, vector<16xf32>,
        %get3A_205 = arith.index_cast %add3A_194 : i32 to index
        %get3A_206 = arith.constant 16 : index
        %get3A_207 = tpu.vector_load %arg11[%get3A_205, %get3A_206] {strides = array<i32>} : memref<200x128xf32, #tpu.memory_space<vmem>>, vector<16xf32>,
        %get3A_208 = arith.index_cast %add3A_194 : i32 to index
        %get3A_209 = arith.constant 16 : index
        %get3A_210 = tpu.vector_load %arg7[%get3A_208, %get3A_209] {strides = array<i32>} : memref<200x64xf32, #tpu.memory_space<vmem>>, vector<16xf32>,
        %add3A_211 = arith.addf %get3A_207, %get3A_210 : vector<16xf32>
        %swap3A_212 = arith.index_cast %add3A_194 : i32 to index
        %swap3A_213 = arith.constant 16 : index
        %swap3A_214 = tpu.vector_load %arg12[%swap3A_212, %swap3A_213] {strides = array<i32>} : memref<200x64xf32, #tpu.memory_space<vmem>>, vector<16xf32>,
        tpu.vector_store %arg12[%swap3A_212, %swap3A_213], %add3A_211 {strides = array<i32>} : memref<200x64xf32, #tpu.memory_space<vmem>>, vector<16xf32>,
        %get3A_215 = arith.index_cast %add3A_194 : i32 to index
        %get3A_216 = arith.constant 32 : index
        %get3A_217 = tpu.vector_load %arg11[%get3A_215, %get3A_216] {strides = array<i32>} : memref<200x128xf32, #tpu.memory_space<vmem>>, vector<16xf32>,
        %get3A_218 = arith.index_cast %add3A_194 : i32 to index
        %get3A_219 = arith.constant 32 : index
        %get3A_220 = tpu.vector_load %arg7[%get3A_218, %get3A_219] {strides = array<i32>} : memref<200x64xf32, #tpu.memory_space<vmem>>, vector<16xf32>,
        %add3A_221 = arith.addf %get3A_217, %get3A_220 : vector<16xf32>
        %swap3A_222 = arith.index_cast %add3A_194 : i32 to index
        %swap3A_223 = arith.constant 32 : index
        %swap3A_224 = tpu.vector_load %arg12[%swap3A_222, %swap3A_223] {strides = array<i32>} : memref<200x64xf32, #tpu.memory_space<vmem>>, vector<16xf32>,
        tpu.vector_store %arg12[%swap3A_222, %swap3A_223], %add3A_221 {strides = array<i32>} : memref<200x64xf32, #tpu.memory_space<vmem>>, vector<16xf32>,
        %get3A_225 = arith.index_cast %add3A_194 : i32 to index
        %get3A_226 = arith.constant 48 : index
        %get3A_227 = tpu.vector_load %arg11[%get3A_225, %get3A_226] {strides = array<i32>} : memref<200x128xf32, #tpu.memory_space<vmem>>, vector<16xf32>,
        %get3A_228 = arith.index_cast %add3A_194 : i32 to index
        %get3A_229 = arith.constant 48 : index
        %get3A_230 = tpu.vector_load %arg7[%get3A_228, %get3A_229] {strides = array<i32>} : memref<200x64xf32, #tpu.memory_space<vmem>>, vector<16xf32>,
        %add3A_231 = arith.addf %get3A_227, %get3A_230 : vector<16xf32>
        %swap3A_232 = arith.index_cast %add3A_194 : i32 to index
        %swap3A_233 = arith.constant 48 : index
        %swap3A_234 = tpu.vector_load %arg12[%swap3A_232, %swap3A_233] {strides = array<i32>} : memref<200x64xf32, #tpu.memory_space<vmem>>, vector<16xf32>,
        tpu.vector_store %arg12[%swap3A_232, %swap3A_233], %add3A_231 {strides = array<i32>} : memref<200x64xf32, #tpu.memory_space<vmem>>, vector<16xf32>,
        %mul3A_235 = arith.constant 4 : i32
        %mul3A_236 = arith.muli %scan3A_104, %mul3A_235 : i32
        %add3A_237 = arith.constant 3 : i32
        %add3A_238 = arith.addi %mul3A_236, %add3A_237 : i32
        %get3A_239 = arith.index_cast %add3A_238 : i32 to index
        %get3A_240 = arith.constant 0 : index
        %get3A_241 = tpu.vector_load %arg11[%get3A_239, %get3A_240] {strides = array<i32>} : memref<200x128xf32, #tpu.memory_space<vmem>>, vector<16xf32>,
        %get3A_242 = arith.index_cast %add3A_238 : i32 to index
        %get3A_243 = arith.constant 0 : index
        %get3A_244 = tpu.vector_load %arg7[%get3A_242, %get3A_243] {strides = array<i32>} : memref<200x64xf32, #tpu.memory_space<vmem>>, vector<16xf32>,
        %add3A_245 = arith.addf %get3A_241, %get3A_244 : vector<16xf32>
        %swap3A_246 = arith.index_cast %add3A_238 : i32 to index
        %swap3A_247 = arith.constant 0 : index
        %swap3A_248 = tpu.vector_load %arg12[%swap3A_246, %swap3A_247] {strides = array<i32>} : memref<200x64xf32, #tpu.memory_space<vmem>>, vector<16xf32>,
        tpu.vector_store %arg12[%swap3A_246, %swap3A_247], %add3A_245 {strides = array<i32>} : memref<200x64xf32, #tpu.memory_space<vmem>>, vector<16xf32>,
        %get3A_249 = arith.index_cast %add3A_238 : i32 to index
        %get3A_250 = arith.constant 16 : index
        %get3A_251 = tpu.vector_load %arg11[%get3A_249, %get3A_250] {strides = array<i32>} : memref<200x128xf32, #tpu.memory_space<vmem>>, vector<16xf32>,
        %get3A_252 = arith.index_cast %add3A_238 : i32 to index
        %get3A_253 = arith.constant 16 : index
        %get3A_254 = tpu.vector_load %arg7[%get3A_252, %get3A_253] {strides = array<i32>} : memref<200x64xf32, #tpu.memory_space<vmem>>, vector<16xf32>,
        %add3A_255 = arith.addf %get3A_251, %get3A_254 : vector<16xf32>
        %swap3A_256 = arith.index_cast %add3A_238 : i32 to index
        %swap3A_257 = arith.constant 16 : index
        %swap3A_258 = tpu.vector_load %arg12[%swap3A_256, %swap3A_257] {strides = array<i32>} : memref<200x64xf32, #tpu.memory_space<vmem>>, vector<16xf32>,
        tpu.vector_store %arg12[%swap3A_256, %swap3A_257], %add3A_255 {strides = array<i32>} : memref<200x64xf32, #tpu.memory_space<vmem>>, vector<16xf32>,
        %get3A_259 = arith.index_cast %add3A_238 : i32 to index
        %get3A_260 = arith.constant 32 : index
        %get3A_261 = tpu.vector_load %arg11[%get3A_259, %get3A_260] {strides = array<i32>} : memref<200x128xf32, #tpu.memory_space<vmem>>, vector<16xf32>,
        %get3A_262 = arith.index_cast %add3A_238 : i32 to index
        %get3A_263 = arith.constant 32 : index
        %get3A_264 = tpu.vector_load %arg7[%get3A_262, %get3A_263] {strides = array<i32>} : memref<200x64xf32, #tpu.memory_space<vmem>>, vector<16xf32>,
        %add3A_265 = arith.addf %get3A_261, %get3A_264 : vector<16xf32>
        %swap3A_266 = arith.index_cast %add3A_238 : i32 to index
        %swap3A_267 = arith.constant 32 : index
        %swap3A_268 = tpu.vector_load %arg12[%swap3A_266, %swap3A_267] {strides = array<i32>} : memref<200x64xf32, #tpu.memory_space<vmem>>, vector<16xf32>,
        tpu.vector_store %arg12[%swap3A_266, %swap3A_267], %add3A_265 {strides = array<i32>} : memref<200x64xf32, #tpu.memory_space<vmem>>, vector<16xf32>,
        %get3A_269 = arith.index_cast %add3A_238 : i32 to index
        %get3A_270 = arith.constant 48 : index
        %get3A_271 = tpu.vector_load %arg11[%get3A_269, %get3A_270] {strides = array<i32>} : memref<200x128xf32, #tpu.memory_space<vmem>>, vector<16xf32>,
        %get3A_272 = arith.index_cast %add3A_238 : i32 to index
        %get3A_273 = arith.constant 48 : index
        %get3A_274 = tpu.vector_load %arg7[%get3A_272, %get3A_273] {strides = array<i32>} : memref<200x64xf32, #tpu.memory_space<vmem>>, vector<16xf32>,
        %add3A_275 = arith.addf %get3A_271, %get3A_274 : vector<16xf32>
        %swap3A_276 = arith.index_cast %add3A_238 : i32 to index
        %swap3A_277 = arith.constant 48 : index
        %swap3A_278 = tpu.vector_load %arg12[%swap3A_276, %swap3A_277] {strides = array<i32>} : memref<200x64xf32, #tpu.memory_space<vmem>>, vector<16xf32>,
        tpu.vector_store %arg12[%swap3A_276, %swap3A_277], %add3A_275 {strides = array<i32>} : memref<200x64xf32, #tpu.memory_space<vmem>>, vector<16xf32>,
      }
      %scan3A_96 = arith.constant 50 : i32
      %mul3A_97 = arith.constant 200 : i32
      %mul3A_98 = arith.muli %add3A_68, %mul3A_97 : i32
      %add3A_99 = arith.addi %mul3A_2, %mul3A_98 : i32
      %dma_start3A_100 = arith.constant 0 : i32
      %dma_start3A_101 = tpu.memref_slice %arg5[%add3A_99, %dma_start3A_100] : memref<819200x64xf32, #tpu.memory_space<hbm>> -> memref<200x64xf32, #tpu.memory_space<hbm>>
      %dma_start3A_102 = arith.constant 0 : i32
      %dma_start3A_103 = tpu.memref_slice %arg5[%add3A_99, %dma_start3A_102] : memref<819200x64xf32, #tpu.memory_space<hbm>> -> memref<200x64xf32, #tpu.memory_space<hbm>>
      tpu.enqueue_dma source(%arg12 : memref<200x64xf32, #tpu.memory_space<vmem>>) target(%dma_start3A_103 : memref<200x64xf32, #tpu.memory_space<hbm>>) target_semaphore(%arg15 : memref<!tpu.dma_semaphore, #tpu.memory_space<semaphore_mem>>)
    }
    %scan3A_25 = arith.constant 64 : i32
    %dma_wait3A = arith.constant 0 : i32
    %dma_wait3A_26 = tpu.memref_slice %arg5[%mul3A_2, %dma_wait3A] : memref<819200x64xf32, #tpu.memory_space<hbm>> -> memref<200x64xf32, #tpu.memory_space<hbm>>
    %dma_wait3A_27 = arith.constant 0 : i32
    %dma_wait3A_28 = tpu.memref_slice %arg5[%mul3A_2, %dma_wait3A_27] : memref<819200x64xf32, #tpu.memory_space<hbm>> -> memref<200x64xf32, #tpu.memory_space<hbm>>
    tpu.wait_dma2 semaphore(%arg15 : memref<!tpu.dma_semaphore, #tpu.memory_space<semaphore_mem>>) src(%arg12 : memref<200x64xf32, #tpu.memory_space<vmem>>) dst(%dma_wait3A_28 : memref<200x64xf32, #tpu.memory_space<hbm>>)
    return
  }
}

</mosaic_0001>

<sc_bundles>
// kernel: _run.3.cloned.1.call-start
scs
__scs_entry_jumppad:
0x0: {  	(pc) =	sbr.rel $0x88, $3  }
0x1: {  	(tag) =	ssettag $0x0;
	lr =	simm.s32 $0x1  }
0x2: {  	[smem:$0x3F9E] =	sst lr;
	_ =	strace $0xD0000000  }
0x3: {  	_ = 	snop  }
0x4: {  	_ = 	snop  }
0x5: {  	_ = 	snop  }
0x6: {  	_ = 	snop  }
0x7: {  	_ = 	snop  }
__scs_overlays_trampoline_lowered:
0x8: {  	[smem:$0x3FAD] =	sst s0  }
0x9: {  	[smem:$0x3FAE] =	sst s1  }
0xa: {  	[smem:$0x3FAF] =	sst s2  }
0xb: {  	[smem:$0x3FB0] =	sst s3  }
0xc: {  	[smem:$0x3FB1] =	sst s4  }
0xd: {  	[smem:$0x3FB2] =	sst s5  }
0xe: {  	[smem:$0x3FB3] =	sst s6  }
0xf: {  	[smem:$0x3FB4] =	sst s7  }
0x10: {  	[smem:$0x3FB5] =	sst s8  }
0x11: {  	[smem:$0x3FB6] =	sst s9;
	s0 =	simm.s32 @!p0 $0x0  }
0x12: {  	s1 =	sld [smem:$0x3F9C];
	s0 =	simm.s32 @p0 $0x1  }
0x13: {  	[smem:$0x3FB7] =	sst s0;
	s0 =	simm.s32 @!p1 $0x0  }
0x14: {  	s2 =	sld [smem:$0x3F9B];
	s0 =	simm.s32 @p1 $0x1  }
0x15: {  	[smem:$0x3FB8] =	sst s0;
	s0 =	simm.s32 @!p2 $0x0  }
0x16: {  	s3 =	sld [smem:$0x3FDB];
	s0 =	simm.s32 @p2 $0x1  }
0x17: {  	s4 =	simm.s32 $0x1BF5;
	[smem:$0x3FBA] =	sst s0  }
0x18: {  	s0 =	sld [smem:$0x3F9D];
	_ =	swait.ge [sflag:s4], $0x0  }
0x19: {  	s7 =	sld [smem:$0x3F9E]  }
0x1a: {  	s8 =	sadd.s32 $0xFFFFE003, lr  }
0x1b: {  	s9 =	sadd.s32 $0xFFFFFEF7, lr;
	s5 =	simm.s32 $0xFFFFFFFF;
	p2 =	slt.u32 s8, $0xFFFFF086  }
0x1c: {  	p1 =	slt.u32 s9, $0xF7A;
	s5 =	simm.s32 @!p2 $0x0  }
0x1d: {  	s5 =	simm.s32 @p1 $0x1;
	p0 =	seq.s32 s7, s2  }
0x1e: {  	s7 =	smul.u32 @!p0 $0xF7A, s2;
	p2 =	seq.s32 @!p0 s5, $0x0  }
0x1f: {  	s9 =	smul.u32 $0xF7A, s1;
	s8 =	simm.s32 @!p0 $0x1BF5;
	p2 =	por !p2, p0  }
0x20: {  	[sflag:s8] =	ssyncset.s32 @!p0 $0xFFFFF086;
	s6 =	sadd.s32 @!p0 s3, s7;
	s7 =	simm.s32 @!p0 $0x108  }
0x21: {  	s3 =	sadd.s32 s3, s9;
	s6 =	sadd.s32 @!p0 $0x88, s6;
	s7 =	simm.s32 @p2 $0x1082  }
0x22: {  	[simem:s7], [sflag:s8] =	dma.local @!p0 [hbm:s6], $0xF7A  }
0x23: {  	s9 =	sor.u32 $0xD0000000, s2;
	s6 =	simm.s32 $0x108;
	_ =	swait.ge @!p0 [sflag:s8], $0x0  }
0x24: {  	s3 =	sadd.s32 $0x88, s3;
	s6 =	simm.s32 @!p1 $0x1082;
	[sflag:s4] =	ssyncset.s32 $0xFFFFF086  }
0x25: {  	[simem:s6], [sflag:s4] =	dma.local [hbm:s3], $0xF7A  }
0x26: {  	[smem:$0x3F9E] =	sst s1;
	(tag) =	ssettag s2;
	_ =	strace s9  }
0x27: {  	s1 =	sld [smem:$0x3FAE]  }
0x28: {  	s2 =	sld [smem:$0x3FAF]  }
0x29: {  	s4 =	sld [smem:$0x3FB1]  }
0x2a: {  	p0 =	seq.s32 s5, $0x0;
	s5 =	sld [smem:$0x3FB2]  }
0x2b: {  	s6 =	sld [smem:$0x3FB3]  }
0x2c: {  	s7 =	sld [smem:$0x3FB4]  }
0x2d: {  	s3 =	simm.s32 $0x108;
	s8 =	sld [smem:$0x3FB5]  }
0x2e: {  	s3 =	simm.s32 @!p0 $0x1082;
	s9 =	sld [smem:$0x3FB6]  }
0x2f: {  	lr =	sadd.s32 s0, s3;
	s0 =	sld [smem:$0x3FAD]  }
0x30: {  	s3 =	sld [smem:$0x3FB0]  }
0x31: {  	[smem:$0x3FB9] =	sst s10  }
0x32: {  	s10 =	sld [smem:$0x3FB7];
	_ =	sdelay $0x3  }
0x33: {  	p0 =	seq.s32 s10, $0x1;
	s10 =	sld [smem:$0x3FB9];
	_ =	sdelay $0x3  }
0x34: {  	[smem:$0x3FB9] =	sst s10  }
0x35: {  	s10 =	sld [smem:$0x3FB8];
	_ =	sdelay $0x3  }
0x36: {  	p1 =	seq.s32 s10, $0x1;
	s10 =	sld [smem:$0x3FB9];
	_ =	sdelay $0x3  }
0x37: {  	[smem:$0x3FB9] =	sst s10  }
0x38: {  	s10 =	sld [smem:$0x3FBA]  }
0x39: {  	_ = 	snop;
	(pc) =	sbr.ind lr, $3  }
0x3a: {  	_ = 	snop  }
0x3b: {  	_ = 	snop  }
0x3c: {  	p2 =	seq.s32 s10, $0x1;
	s10 =	sld [smem:$0x3FB9]  }
0x3d: {  	_ =	shalt  }
0x3e: {  	_ =	shalt  }
0x3f: {  	_ =	shalt  }
0x40: {  	_ =	shalt  }
0x41: {  	_ =	shalt  }
0x42: {  	_ =	shalt  }
0x43: {  	_ =	shalt  }
0x44: {  	_ =	shalt  }
0x45: {  	_ =	shalt  }
0x46: {  	_ =	shalt  }
0x47: {  	_ =	shalt  }
0x48: {  	_ =	shalt  }
0x49: {  	_ =	shalt  }
0x4a: {  	_ =	shalt  }
0x4b: {  	_ =	shalt  }
0x4c: {  	_ =	shalt  }
0x4d: {  	_ =	shalt  }
0x4e: {  	_ =	shalt  }
0x4f: {  	_ =	shalt  }
0x50: {  	_ =	shalt  }
0x51: {  	_ =	shalt  }
0x52: {  	_ =	shalt  }
0x53: {  	_ =	shalt  }
0x54: {  	_ =	shalt  }
0x55: {  	_ =	shalt  }
0x56: {  	_ =	shalt  }
0x57: {  	_ =	shalt  }
0x58: {  	_ =	shalt  }
0x59: {  	_ =	shalt  }
0x5a: {  	_ =	shalt  }
0x5b: {  	_ =	shalt  }
0x5c: {  	_ =	shalt  }
0x5d: {  	_ =	shalt  }
0x5e: {  	_ =	shalt  }
0x5f: {  	_ =	shalt  }
0x60: {  	_ =	shalt  }
0x61: {  	_ =	shalt  }
0x62: {  	_ =	shalt  }
0x63: {  	_ =	shalt  }
0x64: {  	_ =	shalt  }
0x65: {  	_ =	shalt  }
0x66: {  	_ =	shalt  }
0x67: {  	_ =	shalt  }
0x68: {  	_ =	shalt  }
0x69: {  	_ =	shalt  }
0x6a: {  	_ =	shalt  }
0x6b: {  	_ =	shalt  }
0x6c: {  	_ =	shalt  }
0x6d: {  	_ =	shalt  }
0x6e: {  	_ =	shalt  }
0x6f: {  	_ =	shalt  }
0x70: {  	_ =	shalt  }
0x71: {  	_ =	shalt  }
0x72: {  	_ =	shalt  }
0x73: {  	_ =	shalt  }
0x74: {  	_ =	shalt  }
0x75: {  	_ =	shalt  }
0x76: {  	_ =	shalt  }
0x77: {  	_ =	shalt  }
0x78: {  	_ =	shalt  }
0x79: {  	_ =	shalt  }
0x7a: {  	_ =	shalt  }
0x7b: {  	_ =	shalt  }
0x7c: {  	_ =	shalt  }
0x7d: {  	_ =	shalt  }
0x7e: {  	_ =	shalt  }
0x7f: {  	_ =	shalt  }
0x80: {  	_ =	shalt  }
0x81: {  	_ =	shalt  }
0x82: {  	_ =	shalt  }
0x83: {  	_ =	shalt  }
0x84: {  	_ =	shalt  }
0x85: {  	_ =	shalt  }
0x86: {  	_ =	shalt  }
0x87: {  	_ =	shalt  }
.Lfunc_end0:
.L_simem_size_0:
called_computation.1_lowered:
.L_overlay_start_0:
0x88: {  	s2 =	sld [smem:$0x3FD9]  }
0x89: {  	s3 =	sld [smem:$0x3FFE];
	_ =	sdelay $0x1  }
0x8a: {  	s1 =	srdreg.scid  }
0x8b: {  	s0 =	sand.u32 $0x1, s1  }
0x8c: {  	s17 =	sshll.u32 s0, $0xA;
	s2 =	sadd.s32 s3, s2  }
0x8d: {  	s2 =	sadd.s32 s2, s17  }
0x8e: {  	[smem:$0x3FC5] =	sst s2  }
0x8f: {  	_ = 	snop  }
0x90: {  	s2 =	sld [smem:$0x3FD0];
	(tm) =	ssettm $0x1  }
0x91: {  	s18 =	sld [smem:$0x3FFB];
	_ =	sdelay $0x3  }
0x92: {  	_ =	strace s18  }
0x93: {  	s3 =	sld [smem:$0x3FFC];
	_ =	sdelay $0x3  }
0x94: {  	_ =	strace s3  }
0x95: {  	s3 =	sld [smem:$0x3FFD];
	_ =	sdelay $0x3  }
0x96: {  	_ =	strace s3  }
0x97: {  	_ =	strace $0x8FFFFFFF  }
0x98: {  	s19 =	sld [smem:$0x3FDB];
	_ =	sdelay $0x1  }
0x99: {  	s4 =	simm.s32 $_scs_section_size  }
0x9a: {  	s5 =	simm.s32 $_size__tile_overlayer_lowered;
	s6 =	simm.s32 $_tile_overlayer_lowered  }
0x9b: {  	s22 =	simm.s32 $0x1BFF;
	s21 =	sshll.u32 s6, $0x1;
	s3 =	sadd.s32 s4, s19  }
0x9c: {  	s7 =	simm.s32 $0x0;
	s20 =	sshll.u32 s5, $0x1;
	s5 =	sadd.s32 s21, s3  }
0x9d: {  	[timem:s7], [sflag:s22] =	dma.local [hbm:s5], s20  }
0x9e: {  	_ =	swait.ge [sflag:s22], s20  }
0x9f: {  	s4 =	ssub.s32 $0x0, s20;
	[sflag:s22] =	ssyncset.done $0x0  }
0xa0: {  	[sflag:s22] =	ssyncadd.s32 s4;
	_ =	sdelay $0x1  }
0xa1: {  	s23 =	simm.s32 $0x1B8B  }
0xa2: {  	_ =	swait.ge [sflag:s23], $0x1  }
0xa3: {  	[sflag:s23] =	ssyncset.done $0x0  }
0xa4: {  	s25 =	simm.s32 $0x1B8E;
	s24 =	sld [smem:$0x3FFE];
	[sflag:s23] =	ssyncadd.s32 $0xFFFFFFFF  }
0xa5: {  	s26 =	simm.s32 $execute0_lowered;
	[smem:$0x3FD2] =	sst s25  }
0xa6: {  	s5 =	sshll.u32 s26, $0x1;
	_ =	strace $0x80000046;
	[dreg:$0x1] =	wrdreg $0xFFFFFFFF  }
0xa7: {  	s28 =	simm.s32 $_size_execute0_lowered;
	s3 =	sadd.s32 s3, s5;
	[dreg:$0x0] =	wrdreg $0x0  }
0xa8: {  	s5 =	sshll.u32 s28, $0x1;
	[dreg:$0x2] =	wrdreg s3  }
0xa9: {  	[dreg:$0x3] =	wrdreg s5  }
0xaa: {  	[dreg:$0x4] =	wrdreg $0xC0  }
0xab: {  	_ =	task [dreg:s7], $0x5FFFF  }
0xac: {  	[dreg:$0x1] =	wrdreg $0xFFFFFFFF  }
0xad: {  	[dreg:$0x0] =	wrdreg $0x60  }
0xae: {  	[dreg:$0x2] =	wrdreg s2  }
0xaf: {  	[dreg:$0x3] =	wrdreg s24  }
0xb0: {  	[dreg:$0x4] =	wrdreg $0x9  }
0xb1: {  	_ =	task.clear_ibuf [dreg:s7], $0x5FFFF;
	_ =	strace $0x90000046  }
0xb2: {  	s29 =	simm.s32 $0x9;
	_ =	strace $0x80000048  }
0xb3: {  	_ =	swait.ge [sflag:s29], $0x1  }
0xb4: {  	[sflag:s29] =	ssyncadd.s32 $0xFFFFFFFF  }
0xb5: {  	_ =	strace $0x90000048  }
0xb6: {  	_ =	sfence  }
0xb7: {  	s30 =	sld [smem:$0x0];
	_ =	sdelay $0x2  }
0xb8: {  	s31 =	sshll.u32 s1, $0xD;
	s1 =	sshrl.u32 s1, $0x2  }
0xb9: {  	s3 =	sand.u32 $0x4000, s31;
	s1 =	sadd.s32 s1, s30  }
0xba: {  	s0 =	sor.u32 s3, s0;
	s1 =	sshll.u32 s1, $0x11  }
0xbb: {  	s0 =	sor.u32 s1, s0  }
0xbc: {  	s0 =	sadd.s32 $0x8F2B, s0  }
0xbd: {  	[sflag:s0] =	ssyncadd.remote.s32 $0x1  }
0xbe: {  	_ =	sfence.sel $0xFFFF  }
0xbf: {  	[dreg:$0x0] =	wrdreg $0xFFFFFFFF;
	(pc) =	sbr.abs _section_cstart, $3  }
0xc0: {  	[dreg:$0x1] =	wrdreg $0xFFFFFFFF  }
0xc1: {  	_ =	task.clear_ibuf [dreg:s7], $0x2FFFF;
	_ =	strace $0x9FFFFFFF  }
0xc2: {  	(tm) =	ssettm $0x7FFFFFFF  }
0xc3: {  	_ =	shalt  }
tec
execute0_lowered:
.L_overlay_start_1:
0x0: {  	(tag) =	ssettag $0x1  }
0x1: {  	s2 =	rddreg [dreg:$0x0];
	s0 =	srdreg.scid  }
0x2: {  	s3 =	stileid.u32;
	s1 =	rddreg [dreg:$0x1]  }
0x3: {  	s15 =	simm.s32 $0x400;
	s16 =	simm.s32 $0x800;
	s17 =	simm.s32 $0x6  }
0x4: {  	s18 =	simm.s32 $0x2000;
	s19 =	simm.s32 $0x8400;
	s20 =	simm.s32 $0xC8  }
0x5: {  	s22 =	simm.s32 $0x8500;
	s23 =	simm.s32 $0x1;
	s24 =	simm.s32 $0x5  }
0x6: {  	s25 =	simm.s32 $0xEA00;
	s26 =	simm.s32 $0x14E00;
	s28 =	simm.s32 $0x2  }
0x7: {  	s29 =	simm.s32 $0x3;
	s30 =	simm.s32 $0x0;
	s0 =	sand.u32 $0x1, s0  }
0x8: {  	v0 =	vlaneseq.u32;
	s4 =	sshll.u32 s3, $0x1;
	s3 =	simm.s32 $0x0;
	s5 =	sadd.s32 $0xF43000, s1  }
0x9: {  	s6 =	sadd.s32 $0xC00, s1;
	s7 =	sadd.s32 $0x1400, s1;
	v0 =	vmul.u32 $0x80, v0;
	s4 =	sor.u32 s0, s4  }
0xa: {  	[smem:$0x7FF] =	sst s3;
	s0 =	ssub.s32 $0x2, s0;
	s4 =	smul.u32 $0x6400, s4  }
0xb: {  	s9 =	sadd.s32 $0xC80, s1;
	_ =	strace $0x80000047;
	s31 =	sshrl.u32 s0, $0x1;
	v1 =	vor.u32 $0x800, v0;
	v2 =	vor.u32 $0x1000, v0;
	v3 =	vor.u32 $0x1800, v0  }
0xc: {  	[dreg:$0x3] =	wrdreg s6;
	v4 =	vor.u32 $0x2000, v0;
	v5 =	vor.u32 $0x2800, v0;
	v6 =	vor.u32 $0x3000, v0;
	s0 =	ssub.s32 s0, s31;
	s8 =	sshrl.u32 s4, $0x3  }
0xd: {  	v7 =	vor.u32 $0x3800, v0;
	v8 =	vor.u32 $0x4000, v0;
	v9 =	vor.u32 $0x4800, v0;
	s11 =	sor.u32 $0x190, s4;
	s12 =	sor.u32 $0x258, s4;
	s8 =	sadd.s32 s2, s8  }
0xe: {  	v10 =	vor.u32 $0x5000, v0;
	v11 =	vor.u32 $0x5800, v0;
	v12 =	vor.u32 $0x6000, v0;
	s13 =	sor.u32 $0xC8, s4;
	s14 =	smax.u32 s0, $0x1;
	s10 =	sadd.s32 $0x19, s8  }
.LBB2_1:
0xf: {  	s0 =	rddreg [dreg:$0x3]  }
0x10: {  	v13 =	vmov s3;
	[tilespmem:s3], [sflag:$0x6] =	stream.strided.gather [hbm4b:s0+s15], $0x2000, s16, s15, $0x38;
	[tilespmem:$0x1B200] =	vst v63  }
0x11: {  	v13 =	vand.u32 $0x7F, v13;
	_ =	swait.ge [sflag:s17], $0x2000  }
0x12: {  	v14 =	vbroadcast v13, $0x0;
	[sflag:s17] =	ssyncset.done $0x0  }
0x13: {  	s0 =	simm.s32 $0x40;
	[sflag:s17] =	ssyncadd.s32 $0xFFFFE000  }
0x14: {  	v15 =	vor.u32 v0, v14;
	v13 =	vld [tilespmem:s0+$0xFFFFFFC0];
	_ =	sdelay $0x4  }
0x15: {  	[tilespmem:v15+s18+$0x0] =	vst.idx.msk $0xffff, v13  }
0x16: {  	v15 =	vor.u32 v1, v14;
	v13 =	vld [tilespmem:s0+$0xFFFFFFD0];
	_ =	sdelay $0x4  }
0x17: {  	[tilespmem:v15+s18+$0x0] =	vst.idx.msk $0xffff, v13  }
0x18: {  	v15 =	vor.u32 v2, v14;
	v13 =	vld [tilespmem:s0+$0xFFFFFFE0];
	_ =	sdelay $0x4  }
0x19: {  	[tilespmem:v15+s18+$0x0] =	vst.idx.msk $0xffff, v13  }
0x1a: {  	v15 =	vor.u32 v3, v14;
	v13 =	vld [tilespmem:s0+$0xFFFFFFF0];
	_ =	sdelay $0x4  }
0x1b: {  	[tilespmem:v15+s18+$0x0] =	vst.idx.msk $0xffff, v13  }
0x1c: {  	v15 =	vor.u32 v4, v14;
	v13 =	vld [tilespmem:s0+$0x0];
	_ =	sdelay $0x4  }
0x1d: {  	[tilespmem:v15+s18+$0x0] =	vst.idx.msk $0xffff, v13  }
0x1e: {  	v15 =	vor.u32 v5, v14;
	v13 =	vld [tilespmem:s0+$0x10];
	_ =	sdelay $0x4  }
0x1f: {  	[tilespmem:v15+s18+$0x0] =	vst.idx.msk $0xffff, v13  }
0x20: {  	v15 =	vor.u32 v6, v14;
	v13 =	vld [tilespmem:s0+$0x20];
	_ =	sdelay $0x4  }
0x21: {  	[tilespmem:v15+s18+$0x0] =	vst.idx.msk $0xffff, v13  }
0x22: {  	v14 =	vor.u32 v7, v14;
	v13 =	vld [tilespmem:s0+$0x30]  }
0x23: {  	s1 =	simm.s32 $0x1  }
0x24: {  	v15 =	vmov s1;
	s1 =	simm.s32 $0x2  }
.LBB2_2:
0x25: {  	p0 =	sne.s32 s1, $0x3F;
	v15 =	vand.u32 $0x7F, v15  }
0x26: {  	v15 =	vbroadcast v15, $0x0  }
0x27: {  	s0 =	sadd.s32 $0x80, s0;
	[tilespmem:v14+s18+$0x0] =	vst.idx.msk $0xffff, v13  }
0x28: {  	v13 =	vld [tilespmem:s0+$0xFFFFFFC0];
	v14 =	vor.u32 v0, v15;
	_ =	sdelay $0x4  }
0x29: {  	[tilespmem:v14+s18+$0x0] =	vst.idx.msk $0xffff, v13  }
0x2a: {  	v14 =	vor.u32 v1, v15;
	v13 =	vld [tilespmem:s0+$0xFFFFFFD0];
	_ =	sdelay $0x4  }
0x2b: {  	[tilespmem:v14+s18+$0x0] =	vst.idx.msk $0xffff, v13  }
0x2c: {  	v14 =	vor.u32 v2, v15;
	v13 =	vld [tilespmem:s0+$0xFFFFFFE0];
	_ =	sdelay $0x4  }
0x2d: {  	[tilespmem:v14+s18+$0x0] =	vst.idx.msk $0xffff, v13  }
0x2e: {  	v14 =	vor.u32 v3, v15;
	v13 =	vld [tilespmem:s0+$0xFFFFFFF0];
	_ =	sdelay $0x4  }
0x2f: {  	[tilespmem:v14+s18+$0x0] =	vst.idx.msk $0xffff, v13  }
0x30: {  	v14 =	vor.u32 v4, v15;
	v13 =	vld [tilespmem:s0+$0x0];
	_ =	sdelay $0x4  }
0x31: {  	[tilespmem:v14+s18+$0x0] =	vst.idx.msk $0xffff, v13  }
0x32: {  	v14 =	vor.u32 v5, v15;
	v13 =	vld [tilespmem:s0+$0x10];
	_ =	sdelay $0x4  }
0x33: {  	[tilespmem:v14+s18+$0x0] =	vst.idx.msk $0xffff, v13  }
0x34: {  	v14 =	vor.u32 v6, v15;
	v13 =	vld [tilespmem:s0+$0x20];
	_ =	sdelay $0x3  }
.Ltmp0:
0x35: {  	(pc) =	sbr.rel @p0 .LBB2_2-.Ltmp0, $3  }
0x36: {  	[tilespmem:v14+s18+$0x0] =	vst.idx.msk $0xffff, v13  }
0x37: {  	v14 =	vor.u32 v7, v15;
	v13 =	vld [tilespmem:s0+$0x30];
	_ =	sdelay $0x1  }
0x38: {  	v15 =	vmov s1;
	s1 =	sadd.s32 $0x1, s1  }
0x39: {  	_ =	sdelay $0x1  }
0x3a: {  	v15 =	vand.u32 $0x7F, v15  }
0x3b: {  	v15 =	vbroadcast v15, $0x0  }
0x3c: {  	s0 =	sadd.s32 $0x80, s0;
	[tilespmem:v14+s18+$0x0] =	vst.idx.msk $0xffff, v13  }
0x3d: {  	v13 =	vld [tilespmem:s0+$0xFFFFFFC0];
	v14 =	vor.u32 v0, v15;
	_ =	sdelay $0x4  }
0x3e: {  	[tilespmem:v14+s18+$0x0] =	vst.idx.msk $0xffff, v13  }
0x3f: {  	v14 =	vor.u32 v1, v15;
	v13 =	vld [tilespmem:s0+$0xFFFFFFD0];
	_ =	sdelay $0x4  }
0x40: {  	[tilespmem:v14+s18+$0x0] =	vst.idx.msk $0xffff, v13  }
0x41: {  	v14 =	vor.u32 v2, v15;
	v13 =	vld [tilespmem:s0+$0xFFFFFFE0];
	_ =	sdelay $0x4  }
0x42: {  	[tilespmem:v14+s18+$0x0] =	vst.idx.msk $0xffff, v13  }
0x43: {  	v14 =	vor.u32 v3, v15;
	v13 =	vld [tilespmem:s0+$0xFFFFFFF0];
	_ =	sdelay $0x4  }
0x44: {  	[tilespmem:v14+s18+$0x0] =	vst.idx.msk $0xffff, v13  }
0x45: {  	v14 =	vor.u32 v4, v15;
	v13 =	vld [tilespmem:s0+$0x0];
	_ =	sdelay $0x4  }
0x46: {  	[tilespmem:v14+s18+$0x0] =	vst.idx.msk $0xffff, v13  }
0x47: {  	v14 =	vor.u32 v5, v15;
	v13 =	vld [tilespmem:s0+$0x10];
	_ =	sdelay $0x4  }
0x48: {  	[tilespmem:v14+s18+$0x0] =	vst.idx.msk $0xffff, v13  }
0x49: {  	v14 =	vor.u32 v6, v15;
	v13 =	vld [tilespmem:s0+$0x20];
	_ =	sdelay $0x4  }
0x4a: {  	[tilespmem:v14+s18+$0x0] =	vst.idx.msk $0xffff, v13  }
0x4b: {  	v14 =	vor.u32 v7, v15;
	v13 =	vld [tilespmem:s0+$0x30];
	_ =	sdelay $0x4  }
0x4c: {  	s31 =	simm.s32 $0x0;
	[tilespmem:v14+s18+$0x0] =	vst.idx.msk $0xffff, v13  }
0x4d: {  	v13 =	vmov s31;
	[tilespmem:s31], [sflag:$0x6] =	stream.strided.gather [hbm4b:s9+s15], $0x2000, s16, s15, $0x38;
	[tilespmem:$0x1B200] =	vst v63  }
0x4e: {  	v13 =	vand.u32 $0x7F, v13;
	_ =	swait.ge [sflag:s17], $0x2000  }
0x4f: {  	v14 =	vbroadcast v13, $0x0;
	[sflag:s17] =	ssyncset.done $0x0  }
0x50: {  	s0 =	simm.s32 $0x20;
	[sflag:s17] =	ssyncadd.s32 $0xFFFFE000  }
0x51: {  	v15 =	vor.u32 v8, v14;
	v13 =	vld [tilespmem:s0+$0xFFFFFFE0];
	_ =	sdelay $0x4  }
0x52: {  	[tilespmem:v15+s18+$0x0] =	vst.idx.msk $0xffff, v13  }
0x53: {  	v15 =	vor.u32 v9, v14;
	v13 =	vld [tilespmem:s0+$0xFFFFFFF0];
	_ =	sdelay $0x4  }
0x54: {  	[tilespmem:v15+s18+$0x0] =	vst.idx.msk $0xffff, v13  }
0x55: {  	v15 =	vor.u32 v10, v14;
	v13 =	vld [tilespmem:s0+$0x0];
	_ =	sdelay $0x4  }
0x56: {  	[tilespmem:v15+s18+$0x0] =	vst.idx.msk $0xffff, v13  }
0x57: {  	v15 =	vor.u32 v11, v14;
	v13 =	vld [tilespmem:s0+$0x10];
	_ =	sdelay $0x4  }
0x58: {  	[tilespmem:v15+s18+$0x0] =	vst.idx.msk $0xffff, v13  }
0x59: {  	v14 =	vor.u32 v12, v14;
	v13 =	vld [tilespmem:s0+$0x20]  }
0x5a: {  	s1 =	simm.s32 $0x1  }
0x5b: {  	v15 =	vmov s1;
	s1 =	simm.s32 $0x2  }
.LBB2_4:
0x5c: {  	p0 =	sne.s32 s1, $0x3F;
	v15 =	vand.u32 $0x7F, v15  }
0x5d: {  	v15 =	vbroadcast v15, $0x0  }
0x5e: {  	s0 =	sadd.s32 $0x80, s0;
	[tilespmem:v14+s18+$0x0] =	vst.idx.msk $0xff, v13  }
0x5f: {  	v13 =	vld [tilespmem:s0+$0xFFFFFFE0];
	v14 =	vor.u32 v8, v15;
	_ =	sdelay $0x4  }
0x60: {  	[tilespmem:v14+s18+$0x0] =	vst.idx.msk $0xffff, v13  }
0x61: {  	v14 =	vor.u32 v9, v15;
	v13 =	vld [tilespmem:s0+$0xFFFFFFF0];
	_ =	sdelay $0x4  }
0x62: {  	[tilespmem:v14+s18+$0x0] =	vst.idx.msk $0xffff, v13  }
0x63: {  	v14 =	vor.u32 v10, v15;
	v13 =	vld [tilespmem:s0+$0x0];
	_ =	sdelay $0x4  }
0x64: {  	[tilespmem:v14+s18+$0x0] =	vst.idx.msk $0xffff, v13  }
0x65: {  	v14 =	vor.u32 v11, v15;
	v13 =	vld [tilespmem:s0+$0x10];
	_ =	sdelay $0x3  }
.Ltmp1:
0x66: {  	(pc) =	sbr.rel @p0 .LBB2_4-.Ltmp1, $3  }
0x67: {  	[tilespmem:v14+s18+$0x0] =	vst.idx.msk $0xffff, v13  }
0x68: {  	v14 =	vor.u32 v12, v15;
	v13 =	vld [tilespmem:s0+$0x20];
	_ =	sdelay $0x1  }
0x69: {  	v15 =	vmov s1;
	s1 =	sadd.s32 $0x1, s1  }
0x6a: {  	_ =	sdelay $0x1  }
0x6b: {  	v15 =	vand.u32 $0x7F, v15  }
0x6c: {  	v15 =	vbroadcast v15, $0x0  }
0x6d: {  	s0 =	sadd.s32 $0x80, s0;
	[tilespmem:v14+s18+$0x0] =	vst.idx.msk $0xff, v13  }
0x6e: {  	v13 =	vld [tilespmem:s0+$0xFFFFFFE0];
	v14 =	vor.u32 v8, v15;
	_ =	sdelay $0x4  }
0x6f: {  	[tilespmem:v14+s18+$0x0] =	vst.idx.msk $0xffff, v13  }
0x70: {  	v14 =	vor.u32 v9, v15;
	v13 =	vld [tilespmem:s0+$0xFFFFFFF0];
	_ =	sdelay $0x4  }
0x71: {  	[tilespmem:v14+s18+$0x0] =	vst.idx.msk $0xffff, v13  }
0x72: {  	v14 =	vor.u32 v10, v15;
	v13 =	vld [tilespmem:s0+$0x0];
	_ =	sdelay $0x4  }
0x73: {  	[tilespmem:v14+s18+$0x0] =	vst.idx.msk $0xffff, v13  }
0x74: {  	v14 =	vor.u32 v11, v15;
	v13 =	vld [tilespmem:s0+$0x10];
	_ =	sdelay $0x4  }
0x75: {  	[tilespmem:v14+s18+$0x0] =	vst.idx.msk $0xffff, v13  }
0x76: {  	v14 =	vor.u32 v12, v15;
	v13 =	vld [tilespmem:s0+$0x20];
	_ =	sdelay $0x4  }
0x77: {  	s31 =	simm.s32 $0x0;
	[tilespmem:v14+s18+$0x0] =	vst.idx.msk $0xff, v13  }
0x78: {  	[tilespmem:s19], [sflag:$0x6] =	stream.linear.gather [hbm4b:s8+s31], $0xC8, $0x38;
	[tilespmem:$0x1B200] =	vst v63  }
0x79: {  	_ =	swait.ge [sflag:s17], $0xC8  }
0x7a: {  	[sflag:s17] =	ssyncset.done $0x0  }
0x7b: {  	s21 =	simm.s32 $0x8600;
	[sflag:s17] =	ssyncadd.s32 $0xFFFFFF38  }
0x7c: {  	[tilespmem:s21], [sflag:$0x1] =	stream.indirect.gather [hbm4b:s5+s20], $0x80, s19, s20, $0xb8;
	[tilespmem:$0x1B200] =	vst v63  }
0x7d: {  	_ = 	snop  }
0x7e: {  	[tilespmem:s22], [sflag:$0x5] =	stream.linear.gather [hbm4b:s10+s31], $0xC8, $0x38;
	[tilespmem:$0x1B200] =	vst v63  }
.LBB2_6:
0x7f: {  	p0 =	seq.s32 s31, $0x3F  }
0x80: {  	s0 =	smul.u32 @!p0 $0x190, s31;
	_ =	sdelay $0x1  }
0x81: {  	_ =	swait.ge [sflag:s23], $0x6400;
	s0 =	sadd.s32 @!p0 s0, s11  }
0x82: {  	[sflag:s23] =	ssyncset.done $0x0;
	s1 =	simm.s32 @!p0 $0x0;
	s0 =	sshrl.u32 @!p0 s0, $0x3  }
0x83: {  	s6 =	simm.s32 @!p0 $0x8400;
	[sflag:s23] =	ssyncadd.s32 $0xFFFF9C00;
	s0 =	sadd.s32 @!p0 s2, s0  }
0x84: {  	[tilespmem:s6], [sflag:$0x4] =	stream.linear.gather @!p0 [hbm4b:s0+s1], $0xC8, $0x38;
	[tilespmem:$0x1B200] =	vst v63  }
0x85: {  	_ =	swait.ge [sflag:s24], $0xC8  }
0x86: {  	p1 =	seq.s32 s31, $0x0;
	[sflag:s24] =	ssyncset.done $0x0  }
0x87: {  	s0 =	simm.s32 @!p1 $0x3;
	[sflag:s24] =	ssyncadd.s32 $0xFFFFFF38  }
0x88: {  	[tilespmem:s25], [sflag:$0x2] =	stream.indirect.gather [hbm4b:s5+s20], $0x80, s22, s20, $0xb8;
	[tilespmem:$0x1B200] =	vst v63  }
0x89: {  	_ =	swait.ge @!p1 [sflag:s0], $0x6400  }
0x8a: {  	[sflag:s0] =	ssyncset.done @!p1 $0x0  }
0x8b: {  	s1 =	simm.s32 $0x0;
	[sflag:s0] =	ssyncadd.s32 @!p1 $0xFFFF9C00  }
0x8c: {  	v13 =	vld [tilespmem:s1+$0x87B0]  }
0x8d: {  	v14 =	vld [tilespmem:s1+$0x21B0]  }
0x8e: {  	v15 =	vld [tilespmem:s1+$0x8600]  }
0x8f: {  	v16 =	vld [tilespmem:s1+$0x2000]  }
0x90: {  	v17 =	vld [tilespmem:s1+$0x8610]  }
0x91: {  	v18 =	vld [tilespmem:s1+$0x2010]  }
0x92: {  	v19 =	vld [tilespmem:s1+$0x8620]  }
0x93: {  	v20 =	vld [tilespmem:s1+$0x8630]  }
0x94: {  	v13 =	vadd.f32 v14, v13;
	v14 =	vld [tilespmem:s1+$0x2020]  }
0x95: {  	v15 =	vadd.f32 v16, v15;
	v16 =	vld [tilespmem:s1+$0x8680]  }
0x96: {  	[tilespmem:s1+$0x14FB0] =	vst v13;
	v13 =	vld [tilespmem:s1+$0x2030]  }
0x97: {  	[tilespmem:s1+$0x14E00] =	vst v15;
	v15 =	vadd.f32 v18, v17;
	v17 =	vld [tilespmem:s1+$0x2080]  }
0x98: {  	v18 =	vld [tilespmem:s1+$0x2090]  }
0x99: {  	[tilespmem:s1+$0x14E10] =	vst v15;
	v15 =	vld [tilespmem:s1+$0x8690];
	v14 =	vadd.f32 v14, v19  }
0x9a: {  	v19 =	vld [tilespmem:s1+$0x20A0]  }
0x9b: {  	[tilespmem:s1+$0x14E20] =	vst v14;
	v13 =	vadd.f32 v13, v20;
	v14 =	vld [tilespmem:s1+$0x86A0]  }
0x9c: {  	v20 =	vld [tilespmem:s1+$0x2130]  }
0x9d: {  	[tilespmem:s1+$0x14E30] =	vst v13;
	v13 =	vadd.f32 v17, v16;
	v16 =	vld [tilespmem:s1+$0x86B0]  }
0x9e: {  	v17 =	vld [tilespmem:s1+$0x20B0]  }
0x9f: {  	[tilespmem:s1+$0x14E80] =	vst v13;
	v13 =	vadd.f32 v18, v15;
	v15 =	vld [tilespmem:s1+$0x8700]  }
0xa0: {  	v18 =	vld [tilespmem:s1+$0x2100]  }
0xa1: {  	[tilespmem:s1+$0x14E90] =	vst v13;
	v13 =	vadd.f32 v19, v14;
	v14 =	vld [tilespmem:s1+$0x8710]  }
0xa2: {  	v19 =	vld [tilespmem:s1+$0x2110]  }
0xa3: {  	[tilespmem:s1+$0x14EA0] =	vst v13;
	v13 =	vadd.f32 v17, v16;
	v16 =	vld [tilespmem:s1+$0x8720]  }
0xa4: {  	v17 =	vld [tilespmem:s1+$0x2120]  }
0xa5: {  	[tilespmem:s1+$0x14EB0] =	vst v13;
	v13 =	vadd.f32 v18, v15;
	v18 =	vld [tilespmem:s1+$0x8730]  }
0xa6: {  	v21 =	vld [tilespmem:s1+$0x2180]  }
0xa7: {  	[tilespmem:s1+$0x14F00] =	vst v13;
	v13 =	vadd.f32 v19, v14;
	v19 =	vld [tilespmem:s1+$0x8780]  }
0xa8: {  	v15 =	vld [tilespmem:s1+$0x8790]  }
0xa9: {  	[tilespmem:s1+$0x14F10] =	vst v13;
	v13 =	vadd.f32 v17, v16;
	v16 =	vld [tilespmem:s1+$0x2190]  }
0xaa: {  	v17 =	vld [tilespmem:s1+$0x21A0];
	v18 =	vadd.f32 v20, v18  }
0xab: {  	s0 =	simm.s32 $0x200;
	[tilespmem:s1+$0x14F20] =	vst v13;
	v13 =	vld [tilespmem:s1+$0x87A0]  }
0xac: {  	s21 =	simm.s32 $0x1000;
	v14 =	vld [tilespmem:s0+$0x87B0];
	[tilespmem:s1+$0x14F30] =	vst v18;
	v18 =	vadd.f32 v21, v19  }
.LBB2_7:
0xad: {  	p1 =	sne.s32 s21, $0x18800;
	v19 =	vld [tilespmem:s0+$0x21B0]  }
0xae: {  	v20 =	vld [tilespmem:s0+$0x8600];
	[tilespmem:s1+$0x14F80] =	vst v18;
	v15 =	vadd.f32 v16, v15  }
0xaf: {  	v16 =	vld [tilespmem:s0+$0x2000]  }
0xb0: {  	v18 =	vld [tilespmem:s0+$0x8610];
	[tilespmem:s1+$0x14F90] =	vst v15;
	v13 =	vadd.f32 v17, v13  }
0xb1: {  	v15 =	vld [tilespmem:s0+$0x2010]  }
0xb2: {  	v17 =	vld [tilespmem:s0+$0x8620];
	v14 =	vadd.f32 v19, v14;
	[tilespmem:s1+$0x14FA0] =	vst v13;
	s1 =	smov.u32 s0  }
0xb3: {  	v13 =	vld [tilespmem:s1+$0x2020]  }
0xb4: {  	v16 =	vadd.f32 v16, v20;
	v19 =	vld [tilespmem:s1+$0x8630];
	[tilespmem:s1+$0x14FB0] =	vst v14  }
0xb5: {  	v14 =	vld [tilespmem:s1+$0x2030]  }
0xb6: {  	[tilespmem:s1+$0x14E00] =	vst v16;
	v15 =	vadd.f32 v15, v18;
	v16 =	vld [tilespmem:s1+$0x8680]  }
0xb7: {  	v18 =	vld [tilespmem:s1+$0x2080]  }
0xb8: {  	[tilespmem:s1+$0x14E10] =	vst v15;
	v13 =	vadd.f32 v13, v17;
	v15 =	vld [tilespmem:s1+$0x8690]  }
0xb9: {  	v17 =	vld [tilespmem:s1+$0x2090]  }
0xba: {  	[tilespmem:s1+$0x14E20] =	vst v13;
	v13 =	vadd.f32 v14, v19;
	v14 =	vld [tilespmem:s1+$0x86A0]  }
0xbb: {  	v19 =	vld [tilespmem:s1+$0x20A0]  }
0xbc: {  	[tilespmem:s1+$0x14E30] =	vst v13;
	v13 =	vadd.f32 v18, v16;
	v16 =	vld [tilespmem:s1+$0x86B0]  }
0xbd: {  	v18 =	vld [tilespmem:s1+$0x20B0]  }
0xbe: {  	[tilespmem:s1+$0x14E80] =	vst v13;
	v13 =	vadd.f32 v17, v15;
	v15 =	vld [tilespmem:s1+$0x8700]  }
0xbf: {  	v17 =	vld [tilespmem:s1+$0x2100]  }
0xc0: {  	[tilespmem:s1+$0x14E90] =	vst v13;
	v13 =	vadd.f32 v19, v14;
	v14 =	vld [tilespmem:s1+$0x8710]  }
0xc1: {  	v19 =	vld [tilespmem:s1+$0x2110]  }
0xc2: {  	[tilespmem:s1+$0x14EA0] =	vst v13;
	v13 =	vadd.f32 v18, v16;
	v16 =	vld [tilespmem:s1+$0x8720]  }
0xc3: {  	v18 =	vld [tilespmem:s1+$0x2120]  }
0xc4: {  	[tilespmem:s1+$0x14EB0] =	vst v13;
	v13 =	vadd.f32 v17, v15;
	v17 =	vld [tilespmem:s1+$0x8730]  }
0xc5: {  	v20 =	vld [tilespmem:s1+$0x2130]  }
0xc6: {  	[tilespmem:s1+$0x14F00] =	vst v13;
	v13 =	vadd.f32 v19, v14;
	v19 =	vld [tilespmem:s1+$0x8780]  }
0xc7: {  	v21 =	vld [tilespmem:s1+$0x2180]  }
.Ltmp2:
0xc8: {  	[tilespmem:s1+$0x14F10] =	vst v13;
	v13 =	vadd.f32 v18, v16;
	v15 =	vld [tilespmem:s1+$0x8790];
	(pc) =	sbr.rel @p1 .LBB2_7-.Ltmp2, $4  }
0xc9: {  	v16 =	vld [tilespmem:s1+$0x2190]  }
0xca: {  	[tilespmem:s1+$0x14F20] =	vst v13;
	v18 =	vadd.f32 v20, v17;
	v13 =	vld [tilespmem:s1+$0x87A0]  }
0xcb: {  	s0 =	sshra.s32 s21, $0x2;
	v17 =	vld [tilespmem:s1+$0x21A0]  }
0xcc: {  	s21 =	sadd.s32 $0x800, s21;
	v14 =	vld [tilespmem:s0+$0x87B0];
	[tilespmem:s1+$0x14F30] =	vst v18;
	v18 =	vadd.f32 v21, v19  }
0xcd: {  	v19 =	vld [tilespmem:s0+$0x21B0]  }
0xce: {  	v20 =	vld [tilespmem:s0+$0x8600];
	[tilespmem:s1+$0x14F80] =	vst v18;
	v15 =	vadd.f32 v16, v15  }
0xcf: {  	v16 =	vld [tilespmem:s0+$0x2000]  }
0xd0: {  	v18 =	vld [tilespmem:s0+$0x8610];
	[tilespmem:s1+$0x14F90] =	vst v15;
	v13 =	vadd.f32 v17, v13  }
0xd1: {  	v15 =	vld [tilespmem:s0+$0x2010]  }
0xd2: {  	v17 =	vld [tilespmem:s0+$0x8620];
	[tilespmem:s1+$0x14FA0] =	vst v13  }
0xd3: {  	v13 =	vadd.f32 v19, v14;
	v14 =	vld [tilespmem:s0+$0x2020]  }
0xd4: {  	v19 =	vld [tilespmem:s0+$0x8630]  }
0xd5: {  	v16 =	vadd.f32 v16, v20;
	[tilespmem:s0+$0x14FB0] =	vst v13;
	v13 =	vld [tilespmem:s0+$0x2030]  }
0xd6: {  	v20 =	vld [tilespmem:s0+$0x21A0]  }
0xd7: {  	[tilespmem:s0+$0x14E00] =	vst v16;
	v15 =	vadd.f32 v15, v18;
	v16 =	vld [tilespmem:s0+$0x8680]  }
0xd8: {  	v18 =	vld [tilespmem:s0+$0x2080]  }
0xd9: {  	[tilespmem:s0+$0x14E10] =	vst v15;
	v15 =	vld [tilespmem:s0+$0x8690]  }
0xda: {  	v14 =	vadd.f32 v14, v17;
	v17 =	vld [tilespmem:s0+$0x2090]  }
0xdb: {  	v13 =	vadd.f32 v13, v19;
	v19 =	vld [tilespmem:s0+$0x20A0]  }
0xdc: {  	[tilespmem:s0+$0x14E20] =	vst v14;
	v14 =	vld [tilespmem:s0+$0x86A0]  }
0xdd: {  	[tilespmem:s0+$0x14E30] =	vst v13;
	v13 =	vadd.f32 v18, v16;
	v16 =	vld [tilespmem:s0+$0x86B0]  }
0xde: {  	v18 =	vld [tilespmem:s0+$0x20B0]  }
0xdf: {  	[tilespmem:s0+$0x14E80] =	vst v13;
	v13 =	vadd.f32 v17, v15;
	v15 =	vld [tilespmem:s0+$0x8700]  }
0xe0: {  	v17 =	vld [tilespmem:s0+$0x2100]  }
0xe1: {  	[tilespmem:s0+$0x14E90] =	vst v13;
	v13 =	vadd.f32 v19, v14;
	v14 =	vld [tilespmem:s0+$0x8710]  }
0xe2: {  	v19 =	vld [tilespmem:s0+$0x2110]  }
0xe3: {  	[tilespmem:s0+$0x14EA0] =	vst v13;
	v13 =	vadd.f32 v18, v16;
	v16 =	vld [tilespmem:s0+$0x8720]  }
0xe4: {  	v18 =	vld [tilespmem:s0+$0x2120]  }
0xe5: {  	[tilespmem:s0+$0x14EB0] =	vst v13;
	v13 =	vadd.f32 v17, v15;
	v15 =	vld [tilespmem:s0+$0x8730]  }
0xe6: {  	v17 =	vld [tilespmem:s0+$0x2130]  }
0xe7: {  	[tilespmem:s0+$0x14F00] =	vst v13;
	v13 =	vadd.f32 v19, v14;
	v14 =	vld [tilespmem:s0+$0x8780]  }
0xe8: {  	v19 =	vld [tilespmem:s0+$0x2180]  }
0xe9: {  	[tilespmem:s0+$0x14F10] =	vst v13;
	v13 =	vadd.f32 v18, v16;
	v16 =	vld [tilespmem:s0+$0x8790]  }
0xea: {  	v18 =	vld [tilespmem:s0+$0x2190]  }
0xeb: {  	[tilespmem:s0+$0x14F20] =	vst v13;
	v13 =	vld [tilespmem:s0+$0x87A0];
	_ =	sdelay $0x1  }
0xec: {  	v15 =	vadd.f32 v17, v15  }
0xed: {  	s1 =	smul.u32 $0x190, s31;
	v14 =	vadd.f32 v19, v14  }
0xee: {  	[tilespmem:s0+$0x14F30] =	vst v15;
	v15 =	vadd.f32 v18, v16  }
0xef: {  	s6 =	sadd.s32 s4, s1;
	[tilespmem:s0+$0x14F80] =	vst v14;
	v13 =	vadd.f32 v20, v13  }
0xf0: {  	s6 =	sshll.u32 s6, $0x4;
	[tilespmem:s0+$0x14F90] =	vst v15  }
0xf1: {  	s21 =	sadd.s32 s7, s6;
	[tilespmem:s0+$0x14FA0] =	vst v13  }
0xf2: {  	[hbm4b:s21+s3] =	stream.linear.scatter [tilespmem:s26], [sflag:$0x3], $0x6400, $0x38;
	[tilespmem:$0x1B200] =	vst v63  }
0xf3: {  	s0 =	sadd.s32 @!p0 s1, s12;
	_ =	swait.ge [sflag:s28], $0x6400  }
0xf4: {  	s6 =	simm.s32 @!p0 $0x0;
	s0 =	sshrl.u32 @!p0 s0, $0x3;
	[sflag:s28] =	ssyncset.done $0x0  }
0xf5: {  	s21 =	simm.s32 @!p0 $0x8500;
	s0 =	sadd.s32 @!p0 s2, s0;
	[sflag:s28] =	ssyncadd.s32 $0xFFFF9C00  }
0xf6: {  	[tilespmem:s21], [sflag:$0x5] =	stream.linear.gather @!p0 [hbm4b:s0+s6], $0xC8, $0x38;
	[tilespmem:$0x1B200] =	vst v63  }
0xf7: {  	s0 =	simm.s32 @!p0 $0x4  }
0xf8: {  	_ =	swait.ge @!p0 [sflag:s0], $0xC8  }
0xf9: {  	s6 =	simm.s32 @!p0 $0x8400;
	[sflag:s0] =	ssyncset.done @!p0 $0x0  }
0xfa: {  	s21 =	simm.s32 @!p0 $0x8600;
	[sflag:s0] =	ssyncadd.s32 @!p0 $0xFFFFFF38;
	s0 =	simm.s32 @!p0 $0xC8  }
0xfb: {  	[tilespmem:s21], [sflag:$0x1] =	stream.indirect.gather @!p0 [hbm4b:s5+s0], $0x80, s6, s0, $0xb8;
	[tilespmem:$0x1B200] =	vst v63  }
0xfc: {  	_ =	swait.ge [sflag:s29], $0x6400  }
0xfd: {  	[sflag:s29] =	ssyncset.done $0x0  }
0xfe: {  	s0 =	simm.s32 $0x0;
	[sflag:s29] =	ssyncadd.s32 $0xFFFF9C00  }
0xff: {  	v13 =	vld [tilespmem:s0+$0xEBB0]  }
0x100: {  	v14 =	vld [tilespmem:s0+$0x21B0]  }
0x101: {  	v15 =	vld [tilespmem:s0+$0xEA00]  }
0x102: {  	v16 =	vld [tilespmem:s0+$0x2000]  }
0x103: {  	v17 =	vld [tilespmem:s0+$0xEA10]  }
0x104: {  	v18 =	vld [tilespmem:s0+$0x2010]  }
0x105: {  	v19 =	vld [tilespmem:s0+$0xEA20]  }
0x106: {  	v20 =	vld [tilespmem:s0+$0xEA30]  }
0x107: {  	v13 =	vadd.f32 v14, v13;
	v14 =	vld [tilespmem:s0+$0x2020]  }
0x108: {  	v15 =	vadd.f32 v16, v15;
	v16 =	vld [tilespmem:s0+$0xEA80]  }
0x109: {  	[tilespmem:s0+$0x14FB0] =	vst v13;
	v13 =	vld [tilespmem:s0+$0x2030]  }
0x10a: {  	[tilespmem:s0+$0x14E00] =	vst v15;
	v15 =	vadd.f32 v18, v17;
	v17 =	vld [tilespmem:s0+$0x2080]  }
0x10b: {  	v18 =	vld [tilespmem:s0+$0x2090]  }
0x10c: {  	[tilespmem:s0+$0x14E10] =	vst v15;
	v15 =	vld [tilespmem:s0+$0xEA90];
	v14 =	vadd.f32 v14, v19  }
0x10d: {  	v19 =	vld [tilespmem:s0+$0x20A0]  }
0x10e: {  	[tilespmem:s0+$0x14E20] =	vst v14;
	v13 =	vadd.f32 v13, v20;
	v14 =	vld [tilespmem:s0+$0xEAA0]  }
0x10f: {  	v20 =	vld [tilespmem:s0+$0x2130]  }
0x110: {  	[tilespmem:s0+$0x14E30] =	vst v13;
	v13 =	vadd.f32 v17, v16;
	v16 =	vld [tilespmem:s0+$0xEAB0]  }
0x111: {  	v17 =	vld [tilespmem:s0+$0x20B0]  }
0x112: {  	[tilespmem:s0+$0x14E80] =	vst v13;
	v13 =	vadd.f32 v18, v15;
	v15 =	vld [tilespmem:s0+$0xEB00]  }
0x113: {  	v18 =	vld [tilespmem:s0+$0x2100]  }
0x114: {  	[tilespmem:s0+$0x14E90] =	vst v13;
	v13 =	vadd.f32 v19, v14;
	v14 =	vld [tilespmem:s0+$0xEB10]  }
0x115: {  	v19 =	vld [tilespmem:s0+$0x2110]  }
0x116: {  	[tilespmem:s0+$0x14EA0] =	vst v13;
	v13 =	vadd.f32 v17, v16;
	v16 =	vld [tilespmem:s0+$0xEB20]  }
0x117: {  	v17 =	vld [tilespmem:s0+$0x2120]  }
0x118: {  	[tilespmem:s0+$0x14EB0] =	vst v13;
	v13 =	vadd.f32 v18, v15;
	v18 =	vld [tilespmem:s0+$0xEB30]  }
0x119: {  	v21 =	vld [tilespmem:s0+$0x2180]  }
0x11a: {  	[tilespmem:s0+$0x14F00] =	vst v13;
	v13 =	vadd.f32 v19, v14;
	v19 =	vld [tilespmem:s0+$0xEB80]  }
0x11b: {  	v15 =	vld [tilespmem:s0+$0xEB90]  }
0x11c: {  	[tilespmem:s0+$0x14F10] =	vst v13;
	v13 =	vadd.f32 v17, v16;
	v16 =	vld [tilespmem:s0+$0x2190]  }
0x11d: {  	v17 =	vld [tilespmem:s0+$0x21A0];
	v18 =	vadd.f32 v20, v18  }
0x11e: {  	s6 =	simm.s32 $0x200;
	[tilespmem:s0+$0x14F20] =	vst v13;
	v13 =	vld [tilespmem:s0+$0xEBA0]  }
0x11f: {  	s21 =	simm.s32 $0x1000;
	v14 =	vld [tilespmem:s6+$0xEBB0];
	[tilespmem:s0+$0x14F30] =	vst v18;
	v18 =	vadd.f32 v21, v19  }
.LBB2_9:
0x120: {  	p0 =	sne.s32 s21, $0x18800;
	v19 =	vld [tilespmem:s6+$0x21B0]  }
0x121: {  	v20 =	vld [tilespmem:s6+$0xEA00];
	[tilespmem:s0+$0x14F80] =	vst v18;
	v15 =	vadd.f32 v16, v15  }
0x122: {  	v16 =	vld [tilespmem:s6+$0x2000]  }
0x123: {  	v18 =	vld [tilespmem:s6+$0xEA10];
	[tilespmem:s0+$0x14F90] =	vst v15;
	v13 =	vadd.f32 v17, v13  }
0x124: {  	v15 =	vld [tilespmem:s6+$0x2010]  }
0x125: {  	v17 =	vld [tilespmem:s6+$0xEA20];
	v14 =	vadd.f32 v19, v14;
	[tilespmem:s0+$0x14FA0] =	vst v13;
	s0 =	smov.u32 s6  }
0x126: {  	v13 =	vld [tilespmem:s0+$0x2020]  }
0x127: {  	v16 =	vadd.f32 v16, v20;
	v19 =	vld [tilespmem:s0+$0xEA30];
	[tilespmem:s0+$0x14FB0] =	vst v14  }
0x128: {  	v14 =	vld [tilespmem:s0+$0x2030]  }
0x129: {  	[tilespmem:s0+$0x14E00] =	vst v16;
	v15 =	vadd.f32 v15, v18;
	v16 =	vld [tilespmem:s0+$0xEA80]  }
0x12a: {  	v18 =	vld [tilespmem:s0+$0x2080]  }
0x12b: {  	[tilespmem:s0+$0x14E10] =	vst v15;
	v13 =	vadd.f32 v13, v17;
	v15 =	vld [tilespmem:s0+$0xEA90]  }
0x12c: {  	v17 =	vld [tilespmem:s0+$0x2090]  }
0x12d: {  	[tilespmem:s0+$0x14E20] =	vst v13;
	v13 =	vadd.f32 v14, v19;
	v14 =	vld [tilespmem:s0+$0xEAA0]  }
0x12e: {  	v19 =	vld [tilespmem:s0+$0x20A0]  }
0x12f: {  	[tilespmem:s0+$0x14E30] =	vst v13;
	v13 =	vadd.f32 v18, v16;
	v16 =	vld [tilespmem:s0+$0xEAB0]  }
0x130: {  	v18 =	vld [tilespmem:s0+$0x20B0]  }
0x131: {  	[tilespmem:s0+$0x14E80] =	vst v13;
	v13 =	vadd.f32 v17, v15;
	v15 =	vld [tilespmem:s0+$0xEB00]  }
0x132: {  	v17 =	vld [tilespmem:s0+$0x2100]  }
0x133: {  	[tilespmem:s0+$0x14E90] =	vst v13;
	v13 =	vadd.f32 v19, v14;
	v14 =	vld [tilespmem:s0+$0xEB10]  }
0x134: {  	v19 =	vld [tilespmem:s0+$0x2110]  }
0x135: {  	[tilespmem:s0+$0x14EA0] =	vst v13;
	v13 =	vadd.f32 v18, v16;
	v16 =	vld [tilespmem:s0+$0xEB20]  }
0x136: {  	v18 =	vld [tilespmem:s0+$0x2120]  }
0x137: {  	[tilespmem:s0+$0x14EB0] =	vst v13;
	v13 =	vadd.f32 v17, v15;
	v17 =	vld [tilespmem:s0+$0xEB30]  }
0x138: {  	v20 =	vld [tilespmem:s0+$0x2130]  }
0x139: {  	[tilespmem:s0+$0x14F00] =	vst v13;
	v13 =	vadd.f32 v19, v14;
	v19 =	vld [tilespmem:s0+$0xEB80]  }
0x13a: {  	v21 =	vld [tilespmem:s0+$0x2180]  }
.Ltmp3:
0x13b: {  	[tilespmem:s0+$0x14F10] =	vst v13;
	v13 =	vadd.f32 v18, v16;
	v15 =	vld [tilespmem:s0+$0xEB90];
	(pc) =	sbr.rel @p0 .LBB2_9-.Ltmp3, $4  }
0x13c: {  	v16 =	vld [tilespmem:s0+$0x2190]  }
0x13d: {  	[tilespmem:s0+$0x14F20] =	vst v13;
	v18 =	vadd.f32 v20, v17;
	v13 =	vld [tilespmem:s0+$0xEBA0]  }
0x13e: {  	s6 =	sshra.s32 s21, $0x2;
	v17 =	vld [tilespmem:s0+$0x21A0]  }
0x13f: {  	s21 =	sadd.s32 $0x800, s21;
	v14 =	vld [tilespmem:s6+$0xEBB0];
	[tilespmem:s0+$0x14F30] =	vst v18;
	v18 =	vadd.f32 v21, v19  }
0x140: {  	v19 =	vld [tilespmem:s6+$0x21B0]  }
0x141: {  	v20 =	vld [tilespmem:s6+$0xEA00];
	[tilespmem:s0+$0x14F80] =	vst v18;
	v15 =	vadd.f32 v16, v15  }
0x142: {  	v46 =	vld [tilespmem:s6+$0x2000]  }
0x143: {  	v18 =	vld [tilespmem:s6+$0xEA10];
	[tilespmem:s0+$0x14F90] =	vst v15;
	v13 =	vadd.f32 v17, v13  }
0x144: {  	v15 =	vld [tilespmem:s6+$0x2010]  }
0x145: {  	v47 =	vld [tilespmem:s6+$0xEA20];
	[tilespmem:s0+$0x14FA0] =	vst v13  }
0x146: {  	v13 =	vadd.f32 v19, v14;
	v14 =	vld [tilespmem:s6+$0x2020]  }
0x147: {  	v48 =	vld [tilespmem:s6+$0xEA30]  }
0x148: {  	v49 =	vld [tilespmem:s6+$0xEA80]  }
0x149: {  	[tilespmem:s6+$0x14FB0] =	vst v13;
	v13 =	vld [tilespmem:s6+$0x2030]  }
0x14a: {  	v50 =	vld [tilespmem:s6+$0x2080]  }
0x14b: {  	v51 =	vld [tilespmem:s6+$0x2090];
	v15 =	vadd.f32 v15, v18  }
0x14c: {  	v52 =	vld [tilespmem:s6+$0x20A0]  }
0x14d: {  	[tilespmem:s6+$0x14E10] =	vst v15;
	v14 =	vadd.f32 v14, v47;
	v15 =	vld [tilespmem:s6+$0xEA90]  }
0x14e: {  	v53 =	vld [tilespmem:s6+$0xEAB0];
	v13 =	vadd.f32 v13, v48  }
0x14f: {  	[tilespmem:s6+$0x14E20] =	vst v14;
	v14 =	vld [tilespmem:s6+$0xEAA0]  }
0x150: {  	v54 =	vld [tilespmem:s6+$0x20B0];
	[tilespmem:s6+$0x14E30] =	vst v13;
	v13 =	vadd.f32 v50, v49  }
0x151: {  	v55 =	vld [tilespmem:s6+$0x2100]  }
0x152: {  	v56 =	vld [tilespmem:s6+$0x2110];
	[tilespmem:s6+$0x14E80] =	vst v13;
	v13 =	vadd.f32 v51, v15  }
0x153: {  	v15 =	vld [tilespmem:s6+$0xEB00]  }
0x154: {  	v57 =	vld [tilespmem:s6+$0xEB20];
	[tilespmem:s6+$0x14E90] =	vst v13;
	v13 =	vadd.f32 v52, v14  }
0x155: {  	v14 =	vld [tilespmem:s6+$0xEB10]  }
0x156: {  	v58 =	vld [tilespmem:s6+$0x2120];
	[tilespmem:s6+$0x14EA0] =	vst v13;
	v13 =	vadd.f32 v54, v53  }
0x157: {  	v59 =	vld [tilespmem:s6+$0x2130]  }
0x158: {  	v60 =	vld [tilespmem:s6+$0x2180];
	[tilespmem:s6+$0x14EB0] =	vst v13;
	v13 =	vadd.f32 v55, v15  }
0x159: {  	v61 =	vld [tilespmem:s6+$0xEB90]  }
0x15a: {  	v62 =	vld [tilespmem:s6+$0x2190];
	[tilespmem:s6+$0x14F00] =	vst v13;
	v13 =	vadd.f32 v56, v14  }
0x15b: {  	v15 =	vld [tilespmem:s6+$0xEB30]  }
0x15c: {  	v14 =	vld [tilespmem:s6+$0xEB80];
	[tilespmem:s6+$0x14F10] =	vst v13;
	v13 =	vadd.f32 v58, v57  }
0x15d: {  	v63 =	vld [tilespmem:s6+$0x21A0]  }
0x15e: {  	[tilespmem:s6+$0x14F20] =	vst v13;
	v13 =	vld [tilespmem:s6+$0xEBA0]  }
0x15f: {  	v16 =	vadd.f32 v46, v20  }
0x160: {  	s31 =	sadd.s32 $0x1, s31;
	v15 =	vadd.f32 v59, v15  }
0x161: {  	p0 =	sne.s32 s31, $0x40;
	[tilespmem:s6+$0x14E00] =	vst v16;
	v14 =	vadd.f32 v60, v14  }
.Ltmp4:
0x162: {  	[tilespmem:s6+$0x14F30] =	vst v15;
	v15 =	vadd.f32 v62, v61;
	(pc) =	sbr.rel @p0 .LBB2_6-.Ltmp4, $4  }
0x163: {  	s21 =	sadd.s32 s1, s13;
	[tilespmem:s6+$0x14F80] =	vst v14;
	v13 =	vadd.f32 v63, v13  }
0x164: {  	s0 =	sshll.u32 s21, $0x4;
	[tilespmem:s6+$0x14F90] =	vst v15  }
0x165: {  	s0 =	sadd.s32 s7, s0;
	[tilespmem:s6+$0x14FA0] =	vst v13  }
0x166: {  	[hbm4b:s0+s3] =	stream.linear.scatter [tilespmem:s26], [sflag:$0x3], $0x6400, $0x38;
	[tilespmem:$0x1B200] =	vst v63  }
0x167: {  	s30 =	sadd.s32 $0x1, s30  }
0x168: {  	p0 =	sne.s32 s30, s14  }
.Ltmp5:
0x169: {  	_ = 	snop;
	(pc) =	sbr.rel @p0 .LBB2_1-.Ltmp5, $4  }
0x16a: {  	_ = 	snop  }
0x16b: {  	_ =	swait.ge [sflag:s29], $0x6400  }
0x16c: {  	[sflag:s29] =	ssyncset.done $0x0  }
0x16d: {  	[sflag:s29] =	ssyncadd.s32 $0xFFFF9C00  }
0x16e: {  	_ =	sfence.sel $0x180000  }
0x16f: {  	[bflag:$0x0] =	sbarrier.arrive $0xFFFF  }
0x170: {  	_ =	strace $0x90000047  }
0x171: {  	s0 =	stileid.u32;
	[bflag:$0x2] =	sbarrier.arrive $0xFFFF  }
0x172: {  	p0 =	sne.s32 s0, $0x0;
	s0 =	rddreg [dreg:$0x2]  }
0x173: {  	s0 =	sadd.s32 @!p0 $0x100000, s0  }
0x174: {  	[sflag:s0] =	ssyncadd.tile.s32 @!p0 $0x1;
	_ =	shalt  }
.Lfunc_end2:
_tile_overlayer_lowered:
.L_overlay_start_2:
0x175: {  	(tag) =	ssettag $0x2  }
0x176: {  	s0 =	rddreg [dreg:$0x0];
	s2 =	stileid.u32  }
0x177: {  	s1 =	rddreg [dreg:$0x1];
	p0 =	sne.s32 s2, $0x0  }
0x178: {  	s3 =	rddreg [dreg:$0x2];
	[bflag:$0x3] =	sbarrier.arrive $0xFFFF;
	s2 =	simm.s32 @!p0 $0x1C06  }
0x179: {  	[timem:s3], [sflag:s2] =	dma.local @!p0 [hbm:s0], s1  }
0x17a: {  	s0 =	simm.s32 @!p0 $0x6  }
0x17b: {  	_ =	swait.ge @!p0 [sflag:s0], s1  }
0x17c: {  	s1 =	ssub.s32 @!p0 $0x0, s1;
	[sflag:s0] =	ssyncset.done @!p0 $0x0  }
0x17d: {  	[sflag:s0] =	ssyncadd.s32 @!p0 s1  }
0x17e: {  	[bflag:$0x3] =	sbarrier.arrive $0xFFFF  }
0x17f: {  	_ =	shalt  }

// kernel: sparse-core-data-format-call.cloned.1.call-start
scs
called_computation_lowered:
.L_overlay_start_0:
0x0: {  	s2 =	sld [smem:$0x3FD9]  }
0x1: {  	s3 =	sld [smem:$0x3FFE];
	_ =	sdelay $0x1  }
0x2: {  	s1 =	srdreg.scid  }
0x3: {  	s0 =	sand.u32 $0x1, s1  }
0x4: {  	s18 =	sshll.u32 s0, $0xA;
	s2 =	sadd.s32 s3, s2  }
0x5: {  	s2 =	sadd.s32 s2, s18  }
0x6: {  	[smem:$0x3FC5] =	sst s2  }
0x7: {  	_ = 	snop  }
0x8: {  	s2 =	sld [smem:$0x3FD0];
	(tm) =	ssettm $0x1  }
0x9: {  	s19 =	sld [smem:$0x3FFB];
	_ =	sdelay $0x3  }
0xa: {  	_ =	strace s19  }
0xb: {  	s3 =	sld [smem:$0x3FFC];
	_ =	sdelay $0x3  }
0xc: {  	_ =	strace s3  }
0xd: {  	s3 =	sld [smem:$0x3FFD];
	_ =	sdelay $0x3  }
0xe: {  	_ =	strace s3  }
0xf: {  	_ =	strace $0x8FFFFFFF  }
0x10: {  	s20 =	sld [smem:$0x3FDB];
	_ =	sdelay $0x1  }
0x11: {  	s4 =	simm.s32 $_scs_section_size  }
0x12: {  	s5 =	simm.s32 $_size__tile_overlayer_lowered;
	s6 =	simm.s32 $_tile_overlayer_lowered  }
0x13: {  	s23 =	simm.s32 $0x1BFF;
	s22 =	sshll.u32 s6, $0x1;
	s3 =	sadd.s32 s4, s20  }
0x14: {  	s7 =	simm.s32 $0x0;
	s21 =	sshll.u32 s5, $0x1;
	s5 =	sadd.s32 s22, s3  }
0x15: {  	[timem:s7], [sflag:s23] =	dma.local [hbm:s5], s21  }
0x16: {  	_ =	swait.ge [sflag:s23], s21  }
0x17: {  	s4 =	ssub.s32 $0x0, s21;
	[sflag:s23] =	ssyncset.done $0x0  }
0x18: {  	[sflag:s23] =	ssyncadd.s32 s4;
	_ =	sdelay $0x1  }
0x19: {  	s24 =	simm.s32 $0x1B8B  }
0x1a: {  	_ =	swait.ge [sflag:s24], $0x1  }
0x1b: {  	[sflag:s24] =	ssyncset.done $0x0  }
0x1c: {  	s26 =	simm.s32 $0x1B8E;
	s25 =	sld [smem:$0x3FFE];
	[sflag:s24] =	ssyncadd.s32 $0xFFFFFFFF  }
0x1d: {  	s27 =	simm.s32 $execute0_lowered;
	[smem:$0x3FD2] =	sst s26  }
0x1e: {  	s5 =	sshll.u32 s27, $0x1;
	_ =	strace $0x80000049;
	[dreg:$0x1] =	wrdreg $0xFFFFFFFF  }
0x1f: {  	s28 =	simm.s32 $_size_execute0_lowered;
	s3 =	sadd.s32 s3, s5;
	[dreg:$0x0] =	wrdreg $0x0  }
0x20: {  	s5 =	sshll.u32 s28, $0x1;
	[dreg:$0x2] =	wrdreg s3  }
0x21: {  	[dreg:$0x3] =	wrdreg s5  }
0x22: {  	[dreg:$0x4] =	wrdreg $0xC0  }
0x23: {  	_ =	task [dreg:s7], $0x5FFFF  }
0x24: {  	[dreg:$0x1] =	wrdreg $0xFFFFFFFF  }
0x25: {  	[dreg:$0x0] =	wrdreg $0x60  }
0x26: {  	[dreg:$0x2] =	wrdreg s25  }
0x27: {  	[dreg:$0x3] =	wrdreg s2  }
0x28: {  	[dreg:$0x4] =	wrdreg $0x9  }
0x29: {  	_ =	task.clear_ibuf [dreg:s7], $0x5FFFF;
	_ =	strace $0x90000049  }
0x2a: {  	s29 =	simm.s32 $0x9;
	_ =	strace $0x8000004B  }
0x2b: {  	_ =	swait.ge [sflag:s29], $0x1  }
0x2c: {  	[sflag:s29] =	ssyncadd.s32 $0xFFFFFFFF  }
0x2d: {  	_ =	strace $0x9000004B  }
0x2e: {  	_ =	sfence  }
0x2f: {  	s30 =	sld [smem:$0x0];
	_ =	sdelay $0x2  }
0x30: {  	s31 =	sshll.u32 s1, $0xD;
	s1 =	sshrl.u32 s1, $0x2  }
0x31: {  	s3 =	sand.u32 $0x4000, s31;
	s1 =	sadd.s32 s1, s30  }
0x32: {  	s0 =	sor.u32 s3, s0;
	s1 =	sshll.u32 s1, $0x11  }
0x33: {  	s0 =	sor.u32 s1, s0  }
0x34: {  	s0 =	sadd.s32 $0x8F2B, s0  }
0x35: {  	[sflag:s0] =	ssyncadd.remote.s32 $0x1  }
0x36: {  	_ =	sfence.sel $0xFFFF  }
0x37: {  	[dreg:$0x0] =	wrdreg $0xFFFFFFFF;
	(pc) =	sbr.abs _section_cstart, $3  }
0x38: {  	[dreg:$0x1] =	wrdreg $0xFFFFFFFF  }
0x39: {  	_ =	task.clear_ibuf [dreg:s7], $0x2FFFF;
	_ =	strace $0x9FFFFFFF  }
0x3a: {  	(tm) =	ssettm $0x7FFFFFFF  }
0x3b: {  	_ =	shalt  }
tec
execute0_lowered:
.L_overlay_start_1:
0x0: {  	(tag) =	ssettag $0x1  }
0x1: {  	s0 =	srdreg.scid  }
0x2: {  	s1 =	sshll.u32 s0, $0x4  }
0x3: {  	s0 =	stileid.u32;
	s1 =	sand.u32 $0x10, s1  }
0x4: {  	s1 =	sor.u32 s0, s1  }
0x5: {  	s6 =	rddreg [dreg:$0x0];
	s4 =	simm.s32 $0x1;
	s2 =	sshll.u32 s1, $0x7  }
0x6: {  	s7 =	simm.s32 $0x2;
	s12 =	simm.s32 $0x0;
	s1 =	ssub.s32 $0x1000, s2  }
0x7: {  	s8 =	simm.s32 $0x8000;
	s13 =	simm.s32 $0x0;
	s3 =	sand.u32 $0xF80, s1  }
0x8: {  	s9 =	simm.s32 $0x0;
	s5 =	sshrl.u32 s1, $0xC;
	p0 =	sne.s32 s3, $0x0  }
.Ltmp0:
0x9: {  	s1 =	rddreg [dreg:$0x2];
	s4 =	simm.s32 @!p0 $0x0;
	(pc) =	sbr.rel .LBB1_1-.Ltmp0, $4  }
0xa: {  	s11 =	simm.s32 $0x0;
	s3 =	rddreg [dreg:$0x1];
	s5 =	sadd.s32 s4, s5  }
0xb: {  	_ =	strace $0x8000004A;
	s4 =	simm.s32 $0x1;
	s5 =	smul.u32 $0xC8, s5  }
0xc: {  	s6 =	sadd.s32 $0x1400, s6;
	s10 =	smov.u32 s2;
	[sflag:s4] =	ssyncpa.u1 $0x0  }
0xd: {  	p0 =	por $0x0, $0x0;
	[sflag:s7] =	ssyncpa.u1 $0x0;
	s7 =	sor.u32 $0x1, s5  }
.LBB1_4:
0xe: {  	s16 =	sshll.u32 s13, $0x3;
	s17 =	sand.u32 $0x78, s13  }
0xf: {  	s30 =	sand.u32 $0x7E00, s13;
	s12 =	sshll.u32 s12, $0xF;
	s16 =	sand.u32 $0xC00, s16  }
0x10: {  	[tilespmem:s15+$0x810 ss:$0x81] =	vst.msk $0xffff, v2;
	s31 =	sand.u32 $0x7, s13;
	s16 =	sor.u32 s17, s16;
	s17 =	sadd.s32 s3, s30  }
0x11: {  	[tilespmem:s15+$0x1020 ss:$0x81] =	vst.msk $0xffff, v0;
	s13 =	sshll.u32 s31, $0x12;
	s12 =	sadd.s32 s12, s17;
	s16 =	sshrl.u32 s16, $0x3  }
0x12: {  	[tilespmem:s15+$0x0 ss:$0x81] =	vst.msk $0xffff, v1;
	s13 =	sor.u32 $0x400, s13;
	s12 =	sadd.s32 s16, s12  }
0x13: {  	[hbm4b:s12+s13] =	stream.strided.scatter [tilespmem:s14], [sflag:$0x2], $0x2000, s8, s13, $0x20;
	[tilespmem:$0x8080] =	vst v63  }
.LBB1_5:
0x14: {  	s14 =	sadd.s32 $0x1, s9  }
0x15: {  	s12 =	sadd.s32 $0x1000, s10;
	s16 =	smov.u32 s10;
	p2 =	sgt.s32 s14, $0xC7  }
0x16: {  	s16 =	smov.u32 @p2 s12  }
0x17: {  	s14 =	simm.s32 @p2 $0x0;
	p2 =	sgt.s32 s16, $0xFFF  }
0x18: {  	s16 =	smov.u32 @p2 s2;
	p2 =	sne.s32 s11, s7  }
.Ltmp1:
0x19: {  	p1 =	slt.u32 s11, $0x2;
	(pc) =	sbr.rel @!p2 .LBB1_6-.Ltmp1, $4  }
0x1a: {  	s15 =	simm.s32 @!p1 $0x2  }
0x1b: {  	s13 =	smov.u32 s10;
	p0 =	por !p0, !p0;
	_ =	swait.ge @!p1 [sflag:s15], $0x2000  }
0x1c: {  	s12 =	smov.u32 s9;
	[sflag:s15] =	ssyncset.done @!p1 $0x0;
	s9 =	smov.u32 s14  }
0x1d: {  	s11 =	sadd.s32 $0x1, s11;
	[sflag:s15] =	ssyncadd.s32 @!p1 $0xFFFFE000;
	s10 =	smov.u32 s16  }
.LBB1_1:
0x1e: {  	p1 =	sge.u32 s11, s5  }
0x1f: {  	s14 =	sand.u32 @!p1 $0x1FFFFFF, s9  }
0x20: {  	s15 =	smulhi.u32 @!p1 $0x147AE15, s14;
	_ =	sdelay $0x1  }
0x21: {  	s15 =	smul.u32 @!p1 $0xC8, s15  }
0x22: {  	s16 =	sxor.u32 @!p1 $0xFFFFFFFF, s11;
	s17 =	smul.u32 @!p1 $0xC80, s10  }
0x23: {  	s31 =	sadd.s32 $0xFFFFFFFF, s11;
	s16 =	sshll.u32 @!p1 s16, $0xD;
	s14 =	ssub.s32 @!p1 s14, s15  }
0x24: {  	s15 =	sand.u32 @!p1 $0x2000, s16;
	s16 =	sadd.s32 @!p1 s6, s17;
	s14 =	sshll.u32 @!p1 s14, $0x4  }
0x25: {  	s17 =	simm.s32 @!p1 $0x6400;
	s14 =	sadd.s32 @!p1 s14, s16;
	s16 =	simm.s32 @!p1 $0x40  }
0x26: {  	[tilespmem:s15], [sflag:$0x1] =	stream.strided.gather @!p1 [hbm4b:s14+s16], $0x2000, s17, s16, $0x38;
	[tilespmem:$0x8080] =	vst v63  }
0x27: {  	p1 =	sge.u32 s31, s5  }
.Ltmp2:
0x28: {  	_ = 	snop;
	(pc) =	sbr.rel @p1 .LBB1_5-.Ltmp2, $1  }
0x29: {  	_ =	sdelay $0x3  }
0x2a: {  	s14 =	simm.s32 $0x1  }
0x2b: {  	_ =	swait.ge [sflag:s4], $0x2000;
	s14 =	simm.s32 @!p0 $0x0  }
0x2c: {  	[sflag:s4] =	ssyncset.done $0x0;
	s15 =	sshll.u32 s14, $0xD  }
0x2d: {  	[sflag:s4] =	ssyncadd.s32 $0xFFFFE000;
	s18 =	sor.u32 $0x20, s15  }
0x2e: {  	s14 =	smul.u32 $0x8100, s14;
	v3 =	vld [tilespmem:s18+$0x10]  }
0x2f: {  	s30 =	sand.u32 $0x1, s11;
	v2 =	vld [tilespmem:s18+$0xFFFFFFF0]  }
0x30: {  	s15 =	smul.u32 $0x8100, s30;
	s14 =	sshrl.u32 s14, $0x2;
	v0 =	vld [tilespmem:s18+$0x0]  }
0x31: {  	v1 =	vld [tilespmem:s18+$0xFFFFFFE0];
	s16 =	sor.u32 $0x4000, s14  }
0x32: {  	s31 =	sshrl.u32 s15, $0x2;
	s15 =	sadd.s32 $0x0, s16  }
0x33: {  	s17 =	simm.s32 $0x4;
	s18 =	sadd.s32 $0x40, s18;
	s14 =	sor.u32 $0x4000, s31;
	[tilespmem:s15+$0x1830 ss:$0x81] =	vst.msk $0xffff, v3  }
.LBB1_3:
0x34: {  	v3 =	vld [tilespmem:s18+$0x10];
	p1 =	sne.s32 s17, $0x1FC;
	[tilespmem:s15+$0x810 ss:$0x81] =	vst.msk $0xffff, v2;
	s19 =	smov.u32 s17;
	s17 =	sadd.s32 $0x4, s17  }
.Ltmp3:
0x35: {  	v2 =	vld [tilespmem:s18+$0xFFFFFFF0];
	[tilespmem:s15+$0x1020 ss:$0x81] =	vst.msk $0xffff, v0;
	(pc) =	sbr.rel @p1 .LBB1_3-.Ltmp3, $4  }
0x36: {  	v0 =	vld [tilespmem:s18+$0x0];
	[tilespmem:s15+$0x0 ss:$0x81] =	vst.msk $0xffff, v1  }
0x37: {  	s15 =	sshra.s32 s19, $0x2;
	v1 =	vld [tilespmem:s18+$0xFFFFFFE0]  }
0x38: {  	s15 =	sadd.s32 s15, s16  }
0x39: {  	s18 =	sadd.s32 $0x40, s18;
	[tilespmem:s15+$0x1830 ss:$0x81] =	vst.msk $0xffff, v3  }
.Ltmp4:
0x3a: {  	_ = 	snop;
	(pc) =	sbr.rel .LBB1_4-.Ltmp4, $1  }
0x3b: {  	_ =	sdelay $0x3  }
.LBB1_6:
0x3c: {  	_ =	sfence.sel $0x180000  }
0x3d: {  	s2 =	simm.s32 $0x1;
	[bflag:$0x0] =	sbarrier.arrive $0xFFFF  }
0x3e: {  	s31 =	simm.s32 $0x2;
	[sflag:s2] =	ssyncpa.u1 $0x1  }
0x3f: {  	[sflag:s31] =	ssyncpa.u1 $0x1  }
0x40: {  	p0 =	sne.s32 s0, $0x0;
	_ =	strace $0x9000004A  }
0x41: {  	s0 =	sadd.s32 @!p0 $0x100000, s1;
	[bflag:$0x2] =	sbarrier.arrive $0xFFFF  }
0x42: {  	[sflag:s0] =	ssyncadd.tile.s32 @!p0 $0x1;
	_ =	shalt  }
.Lfunc_end1:
_tile_overlayer_lowered:
.L_overlay_start_2:
0x43: {  	(tag) =	ssettag $0x2  }
0x44: {  	s0 =	rddreg [dreg:$0x0];
	s2 =	stileid.u32  }
0x45: {  	s1 =	rddreg [dreg:$0x1];
	p0 =	sne.s32 s2, $0x0  }
0x46: {  	s3 =	rddreg [dreg:$0x2];
	[bflag:$0x3] =	sbarrier.arrive $0xFFFF;
	s2 =	simm.s32 @!p0 $0x1C01  }
0x47: {  	[timem:s3], [sflag:s2] =	dma.local @!p0 [hbm:s0], s1  }
0x48: {  	s0 =	simm.s32 @!p0 $0x1  }
0x49: {  	_ =	swait.ge @!p0 [sflag:s0], s1  }
0x4a: {  	s1 =	ssub.s32 @!p0 $0x0, s1;
	[sflag:s0] =	ssyncset.done @!p0 $0x0  }
0x4b: {  	[sflag:s0] =	ssyncadd.s32 @!p0 s1  }
0x4c: {  	[bflag:$0x3] =	sbarrier.arrive $0xFFFF  }
0x4d: {  	_ =	shalt  }

</sc_bundles>
